<compile_context>
chip_gen: v7x
topology: tpu7x:2x2x1
jax: 0.10.2.dev20260603
libtpu: 0.0.44.dev20260713+nightly
codegen_flags: <defaults>
</compile_context>

<pallas_src>
import functools

import jax
import jax.numpy as jnp
from jax import lax
from jax.experimental import pallas as pl
from jax.experimental.pallas import tpu as pltpu
from jax.experimental.pallas import tpu_sc as plsc

E = 2049
EP = 2064
R = 448
RPW = 16
NACT = R // RPW


def _densify_sc(vals_f, vals_t, rows_f, cols_f, rows_t, cols_t):
    nnz_t = rows_t.shape[0]
    nnz_f = rows_f.shape[0]
    nt = (nnz_t + 15) // 16
    nf = (nnz_f + 15) // 16

    mesh = plsc.VectorSubcoreMesh(core_axis_name="c", subcore_axis_name="s")

    @functools.partial(
        pl.kernel,
        mesh=mesh,
        out_type=[jax.ShapeDtypeStruct((R, EP), jnp.float32)] * 2,
        scratch_types=[
            pltpu.VMEM((nnz_t,), jnp.int32),
            pltpu.VMEM((nnz_t,), jnp.int32),
            pltpu.VMEM((nnz_t,), jnp.float32),
            pltpu.VMEM((nnz_f,), jnp.int32),
            pltpu.VMEM((nnz_f,), jnp.int32),
            pltpu.VMEM((nnz_f,), jnp.float32),
            pltpu.VMEM((RPW, EP), jnp.float32),
            pltpu.VMEM((RPW, EP), jnp.float32),
        ],
        compiler_params=pltpu.CompilerParams(needs_layout_passes=False),
    )
    def build(rt_h, ct_h, vt_h, rf_h, cf_h, vf_h, mt_h, mf_h,
              rt_v, ct_v, vt_v, rf_v, cf_v, vf_v, bt, bf):
        wid = lax.axis_index("s") * 2 + lax.axis_index("c")
        base = wid * RPW

        @pl.when(wid < NACT)
        def _():
            pltpu.sync_copy(rt_h, rt_v)
            pltpu.sync_copy(ct_h, ct_v)
            pltpu.sync_copy(vt_h, vt_v)
            pltpu.sync_copy(rf_h, rf_v)
            pltpu.sync_copy(cf_h, cf_v)
            pltpu.sync_copy(vf_h, vf_v)

            zeros16 = jnp.zeros((16,), jnp.float32)
            for r in range(RPW):
                def zrow(j, c, r=r):
                    bt[r, pl.ds(j * 16, 16)] = zeros16
                    bf[r, pl.ds(j * 16, 16)] = zeros16
                    return c
                lax.fori_loop(0, EP // 16, zrow, 0)

            def scat(k, c, rv, cv, vv, buf, last):
                i = jnp.minimum(k * 16, last)
                r16 = rv[pl.ds(i, 16)]
                c16 = cv[pl.ds(i, 16)]
                v16 = vv[pl.ds(i, 16)]
                lr = r16 - base
                m = (lr >= 0) & (lr < RPW)
                lrc = jnp.clip(lr, 0, RPW - 1)
                plsc.store_scatter(buf, [lrc, c16], v16, mask=m)
                return c

            lax.fori_loop(0, nt, functools.partial(
                scat, rv=rt_v, cv=ct_v, vv=vt_v, buf=bt, last=nnz_t - 16), 0)
            lax.fori_loop(0, nf, functools.partial(
                scat, rv=rf_v, cv=cf_v, vv=vf_v, buf=bf, last=nnz_f - 16), 0)

            pltpu.sync_copy(bt, mt_h.at[pl.ds(base, RPW), :])
            pltpu.sync_copy(bf, mf_h.at[pl.ds(base, RPW), :])

    return build(rows_t, cols_t, vals_t, rows_f, cols_f, vals_f)


def _mm_body(x_ref, s_ref, mt_ref, mf_ref, ot_ref, of_ref):
    mt = mt_ref[...][:, :E].astype(jnp.bfloat16)
    mf = mf_ref[...][:, :E].astype(jnp.bfloat16)
    dn = (((1,), (1,)), ((), ()))
    ot_ref[0] = lax.dot_general(mt, x_ref[0].astype(jnp.bfloat16), dn,
                                preferred_element_type=jnp.float32)
    of_ref[0] = lax.dot_general(mf, s_ref[0].astype(jnp.bfloat16), dn,
                                preferred_element_type=jnp.float32)


def kernel(ceps, spec, vals_f, vals_t, rows_f, cols_f, rows_t, cols_t):
    batch, steps, _ = ceps.shape

    mt, mf = _densify_sc(vals_f, vals_t, rows_f, cols_f, rows_t, cols_t)

    ot, of = pl.pallas_call(
        _mm_body,
        grid=(batch,),
        in_specs=[
            pl.BlockSpec((1, steps, E), lambda i: (i, 0, 0)),
            pl.BlockSpec((1, steps, E), lambda i: (i, 0, 0)),
            pl.BlockSpec((R, EP), lambda i: (0, 0)),
            pl.BlockSpec((R, EP), lambda i: (0, 0)),
        ],
        out_specs=[
            pl.BlockSpec((1, R, steps), lambda i: (i, 0, 0)),
            pl.BlockSpec((1, R, steps), lambda i: (i, 0, 0)),
        ],
        out_shape=[jax.ShapeDtypeStruct((batch, R, steps), jnp.float32)] * 2,
        compiler_params=pltpu.CompilerParams(vmem_limit_bytes=50 * 2**20),
    )(ceps, spec, mt, mf)

    return jnp.transpose(ot, (0, 2, 1)), jnp.transpose(of, (0, 2, 1))

# --- scband reference (transcript-rebuilt; emitter-appended) ---
"""Pipeline reference for scband-sparse-pitch-profile-59811714564405 (READ-ONLY COPY).

The authoritative reference and input builder live on the scoring server;
editing this copy changes nothing except your own understanding.
"""

import jax, jax.numpy as jnp
import numpy as np

IN_CHANNELS = 4096
SR = 44100
HARMS = 24
DIV = 4
NORM = False
EFFECTED = IN_CHANNELS // 2 + 1
R = (88 + HARMS) * DIV


def _build_filters():
    step = 1.0 / DIV
    midi_num = np.arange(20.5 - step / 2 - HARMS, 108.5 + step + HARMS, step)
    fd = 440 * np.power(2, (midi_num - 69) / 12)
    x = np.arange(EFFECTED)
    freq_f = x * SR / IN_CHANNELS
    freq_t = SR / x[1:]
    inter_value = np.array([0, 1, 0])

    def build(freqs, col_offset, loop_range, row_of):
        idxs = np.digitize(freqs, fd)
        cols, rows, values = [], [], []
        for i in loop_range:
            idx = np.where((idxs == i + 1) | (idxs == i + 2))[0]
            c = idx + col_offset
            r = np.broadcast_to(row_of(i), idx.shape)
            v = np.interp(freqs[idx], fd[i:i + 3], inter_value).astype(np.float32)
            if NORM and len(idx):
                v = v / v.sum()
            if len(idx) == 0 and len(values) and len(values[-1]):
                c = cols[-1].copy()
                r = rows[-1].copy()
                r[:] = row_of(i)
                v = values[-1].copy()
            cols.append(np.asarray(c))
            rows.append(np.asarray(r))
            values.append(v)
        rows = np.concatenate(rows).astype(np.int32)
        cols = np.concatenate(cols).astype(np.int32)
        values = np.concatenate(values).astype(np.float32)
        return rows, cols, values

    rf, cf, vf = build(freq_f, 0, range(HARMS * DIV, (88 + 2 * HARMS) * DIV), lambda i: i - HARMS * DIV)
    rt, ct, vt = build(freq_t, 1, range((88 + HARMS) * DIV - 1, -1, -1), lambda i: i)
    return rf, cf, vf, rt, ct, vt


def setup_inputs(seed: int = 0) -> dict:
    key = jax.random.key(seed)
    k1, k2 = jax.random.split(key)
    ceps = jax.random.normal(k1, (8, 512, EFFECTED), dtype=jnp.float32)
    spec = jax.random.normal(k2, (8, 512, EFFECTED), dtype=jnp.float32)
    rf, cf, vf, rt, ct, vt = _build_filters()
    return {
        "ceps": ceps,
        "spec": spec,
        "vals_f": jnp.asarray(vf),
        "vals_t": jnp.asarray(vt),
        "rows_f": jnp.asarray(rf),
        "cols_f": jnp.asarray(cf),
        "rows_t": jnp.asarray(rt),
        "cols_t": jnp.asarray(ct),
    }


def reference(ceps, spec, vals_f, vals_t, rows_f, cols_f, rows_t, cols_t):
    ceps = ceps[..., :EFFECTED]
    spec = spec[..., :EFFECTED]
    batch_dim, steps, _ = ceps.shape
    flat_c = jnp.transpose(ceps, (2, 1, 0)).reshape(EFFECTED, -1)
    flat_s = jnp.transpose(spec, (2, 1, 0)).reshape(EFFECTED, -1)
    # sparse COO matmul: gather source rows by col index, scale by values, scatter-add into output rows
    ppt = jax.ops.segment_sum(vals_t[:, None] * jnp.take(flat_c, cols_t, axis=0), rows_t, num_segments=R)
    ppf = jax.ops.segment_sum(vals_f[:, None] * jnp.take(flat_s, cols_f, axis=0), rows_f, num_segments=R)
    ppt = jnp.transpose(ppt.reshape(R, steps, batch_dim), (2, 1, 0))
    ppf = jnp.transpose(ppf.reshape(R, steps, batch_dim), (2, 1, 0))
    return (ppt, ppf)

if __name__ == "__main__":
    import jax
    _d = setup_inputs()
    print(jax.jit(kernel)(*tuple(_d.values())))

</pallas_src>

<mosaic_0001>
#map = affine_map<(d0, d1) -> (0)>
#map1 = affine_map<(d0, d1) -> (0, 0)>
module attributes {stable_mosaic.version = 14 : i64} {
  func.func @build(%arg0: i32, %arg1: i32, %arg2: memref<5148xi32, #tpu.memory_space<hbm>>, %arg3: memref<5148xi32, #tpu.memory_space<hbm>>, %arg4: memref<5148xf32, #tpu.memory_space<hbm>>, %arg5: memref<3303xi32, #tpu.memory_space<hbm>>, %arg6: memref<3303xi32, #tpu.memory_space<hbm>>, %arg7: memref<3303xf32, #tpu.memory_space<hbm>>, %arg8: memref<448x2064xf32, #tpu.memory_space<hbm>>, %arg9: memref<448x2064xf32, #tpu.memory_space<hbm>>, %arg10: memref<5148xi32, #tpu.memory_space<vmem>>, %arg11: memref<5148xi32, #tpu.memory_space<vmem>>, %arg12: memref<5148xf32, #tpu.memory_space<vmem>>, %arg13: memref<3303xi32, #tpu.memory_space<vmem>>, %arg14: memref<3303xi32, #tpu.memory_space<vmem>>, %arg15: memref<3303xf32, #tpu.memory_space<vmem>>, %arg16: memref<16x2064xf32, #tpu.memory_space<vmem>>, %arg17: memref<16x2064xf32, #tpu.memory_space<vmem>>) attributes {dimension_semantics = [#tpu.dimension_semantics<core_parallel>, #tpu.dimension_semantics<subcore_parallel>], iteration_bounds = array<i64: 2, 16>, scalar_prefetch = 0 : i64, scratch_operands = 8 : i64, tpu.core_type = #tpu.core_type<sc_vector_subcore>, window_params = [{transform_indices = #map}, {transform_indices = #map}, {transform_indices = #map}, {transform_indices = #map}, {transform_indices = #map}, {transform_indices = #map}, {transform_indices = #map1}, {transform_indices = #map1}]} {
    %mul3A = arith.constant 2 : i32
    %mul3A_0 = arith.muli %arg1, %mul3A : i32
    %add3A = arith.addi %mul3A_0, %arg0 : i32
    %mul3A_1 = arith.constant 16 : i32
    %mul3A_2 = arith.muli %add3A, %mul3A_1 : i32
    %lt3A = arith.constant 28 : i32
    %lt3A_3 = arith.cmpi slt, %add3A, %lt3A : i32
    %convert_element_type3A = arith.extui %lt3A_3 : i1 to i32
    %cond3A = arith.constant 0 : i32
    %cond3A_4 = arith.cmpi ne, %convert_element_type3A, %cond3A : i32
    scf.if %cond3A_4 {
      "tpu.region"() ({
        %run_scoped3A = tpu.sem_alloc : memref<!tpu.dma_semaphore, #tpu.memory_space<semaphore_mem>>
        tpu.enqueue_dma source(%arg2 : memref<5148xi32, #tpu.memory_space<hbm>>) target(%arg10 : memref<5148xi32, #tpu.memory_space<vmem>>) target_semaphore(%run_scoped3A : memref<!tpu.dma_semaphore, #tpu.memory_space<semaphore_mem>>)
        tpu.wait_dma2 semaphore(%run_scoped3A : memref<!tpu.dma_semaphore, #tpu.memory_space<semaphore_mem>>) src(%arg2 : memref<5148xi32, #tpu.memory_space<hbm>>) dst(%arg10 : memref<5148xi32, #tpu.memory_space<vmem>>)
        tpu.yield
      }) : () -> ()
      "tpu.region"() ({
        %run_scoped3A = tpu.sem_alloc : memref<!tpu.dma_semaphore, #tpu.memory_space<semaphore_mem>>
        tpu.enqueue_dma source(%arg3 : memref<5148xi32, #tpu.memory_space<hbm>>) target(%arg11 : memref<5148xi32, #tpu.memory_space<vmem>>) target_semaphore(%run_scoped3A : memref<!tpu.dma_semaphore, #tpu.memory_space<semaphore_mem>>)
        tpu.wait_dma2 semaphore(%run_scoped3A : memref<!tpu.dma_semaphore, #tpu.memory_space<semaphore_mem>>) src(%arg3 : memref<5148xi32, #tpu.memory_space<hbm>>) dst(%arg11 : memref<5148xi32, #tpu.memory_space<vmem>>)
        tpu.yield
      }) : () -> ()
      "tpu.region"() ({
        %run_scoped3A = tpu.sem_alloc : memref<!tpu.dma_semaphore, #tpu.memory_space<semaphore_mem>>
        tpu.enqueue_dma source(%arg4 : memref<5148xf32, #tpu.memory_space<hbm>>) target(%arg12 : memref<5148xf32, #tpu.memory_space<vmem>>) target_semaphore(%run_scoped3A : memref<!tpu.dma_semaphore, #tpu.memory_space<semaphore_mem>>)
        tpu.wait_dma2 semaphore(%run_scoped3A : memref<!tpu.dma_semaphore, #tpu.memory_space<semaphore_mem>>) src(%arg4 : memref<5148xf32, #tpu.memory_space<hbm>>) dst(%arg12 : memref<5148xf32, #tpu.memory_space<vmem>>)
        tpu.yield
      }) : () -> ()
      "tpu.region"() ({
        %run_scoped3A = tpu.sem_alloc : memref<!tpu.dma_semaphore, #tpu.memory_space<semaphore_mem>>
        tpu.enqueue_dma source(%arg5 : memref<3303xi32, #tpu.memory_space<hbm>>) target(%arg13 : memref<3303xi32, #tpu.memory_space<vmem>>) target_semaphore(%run_scoped3A : memref<!tpu.dma_semaphore, #tpu.memory_space<semaphore_mem>>)
        tpu.wait_dma2 semaphore(%run_scoped3A : memref<!tpu.dma_semaphore, #tpu.memory_space<semaphore_mem>>) src(%arg5 : memref<3303xi32, #tpu.memory_space<hbm>>) dst(%arg13 : memref<3303xi32, #tpu.memory_space<vmem>>)
        tpu.yield
      }) : () -> ()
      "tpu.region"() ({
        %run_scoped3A = tpu.sem_alloc : memref<!tpu.dma_semaphore, #tpu.memory_space<semaphore_mem>>
        tpu.enqueue_dma source(%arg6 : memref<3303xi32, #tpu.memory_space<hbm>>) target(%arg14 : memref<3303xi32, #tpu.memory_space<vmem>>) target_semaphore(%run_scoped3A : memref<!tpu.dma_semaphore, #tpu.memory_space<semaphore_mem>>)
        tpu.wait_dma2 semaphore(%run_scoped3A : memref<!tpu.dma_semaphore, #tpu.memory_space<semaphore_mem>>) src(%arg6 : memref<3303xi32, #tpu.memory_space<hbm>>) dst(%arg14 : memref<3303xi32, #tpu.memory_space<vmem>>)
        tpu.yield
      }) : () -> ()
      "tpu.region"() ({
        %run_scoped3A = tpu.sem_alloc : memref<!tpu.dma_semaphore, #tpu.memory_space<semaphore_mem>>
        tpu.enqueue_dma source(%arg7 : memref<3303xf32, #tpu.memory_space<hbm>>) target(%arg15 : memref<3303xf32, #tpu.memory_space<vmem>>) target_semaphore(%run_scoped3A : memref<!tpu.dma_semaphore, #tpu.memory_space<semaphore_mem>>)
        tpu.wait_dma2 semaphore(%run_scoped3A : memref<!tpu.dma_semaphore, #tpu.memory_space<semaphore_mem>>) src(%arg7 : memref<3303xf32, #tpu.memory_space<hbm>>) dst(%arg15 : memref<3303xf32, #tpu.memory_space<vmem>>)
        tpu.yield
      }) : () -> ()
      %broadcast_in_dim3A = arith.constant 0.000000e+00 : f32
      %broadcast_in_dim3A_5 = vector.broadcast %broadcast_in_dim3A : f32 to vector<16xf32>
      %scan3A = arith.constant 0 : i32
      %scan3A_6 = arith.constant 0 : i32
      %scan3A_7 = arith.constant 129 : i32
      %scan3A_8 = arith.addi %scan3A_6, %scan3A_7 : i32
      %scan3A_9 = arith.constant 1 : i32
      scf.for %scan3A_113 = %scan3A_6 to %scan3A_8 step %scan3A_9  : i32 {
        %mul3A_114 = arith.constant 16 : i32
        %mul3A_115 = arith.muli %scan3A_113, %mul3A_114 : i32
        %swap3A = arith.constant 0 : i32
        %swap3A_116 = arith.index_cast %swap3A : i32 to index
        %swap3A_117 = arith.index_cast %mul3A_115 : i32 to index
        %swap3A_118 = tpu.vector_load %arg16[%swap3A_116, %swap3A_117] {strides = array<i32>} : memref<16x2064xf32, #tpu.memory_space<vmem>>, vector<16xf32>,
        tpu.vector_store %arg16[%swap3A_116, %swap3A_117], %broadcast_in_dim3A_5 {strides = array<i32>} : memref<16x2064xf32, #tpu.memory_space<vmem>>, vector<16xf32>,
        %mul3A_119 = arith.constant 16 : i32
        %mul3A_120 = arith.muli %scan3A_113, %mul3A_119 : i32
        %swap3A_121 = arith.constant 0 : i32
        %swap3A_122 = arith.index_cast %swap3A_121 : i32 to index
        %swap3A_123 = arith.index_cast %mul3A_120 : i32 to index
        %swap3A_124 = tpu.vector_load %arg17[%swap3A_122, %swap3A_123] {strides = array<i32>} : memref<16x2064xf32, #tpu.memory_space<vmem>>, vector<16xf32>,
        tpu.vector_store %arg17[%swap3A_122, %swap3A_123], %broadcast_in_dim3A_5 {strides = array<i32>} : memref<16x2064xf32, #tpu.memory_space<vmem>>, vector<16xf32>,
      }
      %scan3A_10 = arith.constant 129 : i32
      %scan3A_11 = arith.constant 0 : i32
      %scan3A_12 = arith.constant 0 : i32
      %scan3A_13 = arith.constant 129 : i32
      %scan3A_14 = arith.addi %scan3A_12, %scan3A_13 : i32
      %scan3A_15 = arith.constant 1 : i32
      scf.for %scan3A_113 = %scan3A_12 to %scan3A_14 step %scan3A_15  : i32 {
        %mul3A_114 = arith.constant 16 : i32
        %mul3A_115 = arith.muli %scan3A_113, %mul3A_114 : i32
        %swap3A = arith.constant 1 : i32
        %swap3A_116 = arith.index_cast %swap3A : i32 to index
        %swap3A_117 = arith.index_cast %mul3A_115 : i32 to index
        %swap3A_118 = tpu.vector_load %arg16[%swap3A_116, %swap3A_117] {strides = array<i32>} : memref<16x2064xf32, #tpu.memory_space<vmem>>, vector<16xf32>,
        tpu.vector_store %arg16[%swap3A_116, %swap3A_117], %broadcast_in_dim3A_5 {strides = array<i32>} : memref<16x2064xf32, #tpu.memory_space<vmem>>, vector<16xf32>,
        %mul3A_119 = arith.constant 16 : i32
        %mul3A_120 = arith.muli %scan3A_113, %mul3A_119 : i32
        %swap3A_121 = arith.constant 1 : i32
        %swap3A_122 = arith.index_cast %swap3A_121 : i32 to index
        %swap3A_123 = arith.index_cast %mul3A_120 : i32 to index
        %swap3A_124 = tpu.vector_load %arg17[%swap3A_122, %swap3A_123] {strides = array<i32>} : memref<16x2064xf32, #tpu.memory_space<vmem>>, vector<16xf32>,
        tpu.vector_store %arg17[%swap3A_122, %swap3A_123], %broadcast_in_dim3A_5 {strides = array<i32>} : memref<16x2064xf32, #tpu.memory_space<vmem>>, vector<16xf32>,
      }
      %scan3A_16 = arith.constant 129 : i32
      %scan3A_17 = arith.constant 0 : i32
      %scan3A_18 = arith.constant 0 : i32
      %scan3A_19 = arith.constant 129 : i32
      %scan3A_20 = arith.addi %scan3A_18, %scan3A_19 : i32
      %scan3A_21 = arith.constant 1 : i32
      scf.for %scan3A_113 = %scan3A_18 to %scan3A_20 step %scan3A_21  : i32 {
        %mul3A_114 = arith.constant 16 : i32
        %mul3A_115 = arith.muli %scan3A_113, %mul3A_114 : i32
        %swap3A = arith.constant 2 : i32
        %swap3A_116 = arith.index_cast %swap3A : i32 to index
        %swap3A_117 = arith.index_cast %mul3A_115 : i32 to index
        %swap3A_118 = tpu.vector_load %arg16[%swap3A_116, %swap3A_117] {strides = array<i32>} : memref<16x2064xf32, #tpu.memory_space<vmem>>, vector<16xf32>,
        tpu.vector_store %arg16[%swap3A_116, %swap3A_117], %broadcast_in_dim3A_5 {strides = array<i32>} : memref<16x2064xf32, #tpu.memory_space<vmem>>, vector<16xf32>,
        %mul3A_119 = arith.constant 16 : i32
        %mul3A_120 = arith.muli %scan3A_113, %mul3A_119 : i32
        %swap3A_121 = arith.constant 2 : i32
        %swap3A_122 = arith.index_cast %swap3A_121 : i32 to index
        %swap3A_123 = arith.index_cast %mul3A_120 : i32 to index
        %swap3A_124 = tpu.vector_load %arg17[%swap3A_122, %swap3A_123] {strides = array<i32>} : memref<16x2064xf32, #tpu.memory_space<vmem>>, vector<16xf32>,
        tpu.vector_store %arg17[%swap3A_122, %swap3A_123], %broadcast_in_dim3A_5 {strides = array<i32>} : memref<16x2064xf32, #tpu.memory_space<vmem>>, vector<16xf32>,
      }
      %scan3A_22 = arith.constant 129 : i32
      %scan3A_23 = arith.constant 0 : i32
      %scan3A_24 = arith.constant 0 : i32
      %scan3A_25 = arith.constant 129 : i32
      %scan3A_26 = arith.addi %scan3A_24, %scan3A_25 : i32
      %scan3A_27 = arith.constant 1 : i32
      scf.for %scan3A_113 = %scan3A_24 to %scan3A_26 step %scan3A_27  : i32 {
        %mul3A_114 = arith.constant 16 : i32
        %mul3A_115 = arith.muli %scan3A_113, %mul3A_114 : i32
        %swap3A = arith.constant 3 : i32
        %swap3A_116 = arith.index_cast %swap3A : i32 to index
        %swap3A_117 = arith.index_cast %mul3A_115 : i32 to index
        %swap3A_118 = tpu.vector_load %arg16[%swap3A_116, %swap3A_117] {strides = array<i32>} : memref<16x2064xf32, #tpu.memory_space<vmem>>, vector<16xf32>,
        tpu.vector_store %arg16[%swap3A_116, %swap3A_117], %broadcast_in_dim3A_5 {strides = array<i32>} : memref<16x2064xf32, #tpu.memory_space<vmem>>, vector<16xf32>,
        %mul3A_119 = arith.constant 16 : i32
        %mul3A_120 = arith.muli %scan3A_113, %mul3A_119 : i32
        %swap3A_121 = arith.constant 3 : i32
        %swap3A_122 = arith.index_cast %swap3A_121 : i32 to index
        %swap3A_123 = arith.index_cast %mul3A_120 : i32 to index
        %swap3A_124 = tpu.vector_load %arg17[%swap3A_122, %swap3A_123] {strides = array<i32>} : memref<16x2064xf32, #tpu.memory_space<vmem>>, vector<16xf32>,
        tpu.vector_store %arg17[%swap3A_122, %swap3A_123], %broadcast_in_dim3A_5 {strides = array<i32>} : memref<16x2064xf32, #tpu.memory_space<vmem>>, vector<16xf32>,
      }
      %scan3A_28 = arith.constant 129 : i32
      %scan3A_29 = arith.constant 0 : i32
      %scan3A_30 = arith.constant 0 : i32
      %scan3A_31 = arith.constant 129 : i32
      %scan3A_32 = arith.addi %scan3A_30, %scan3A_31 : i32
      %scan3A_33 = arith.constant 1 : i32
      scf.for %scan3A_113 = %scan3A_30 to %scan3A_32 step %scan3A_33  : i32 {
        %mul3A_114 = arith.constant 16 : i32
        %mul3A_115 = arith.muli %scan3A_113, %mul3A_114 : i32
        %swap3A = arith.constant 4 : i32
        %swap3A_116 = arith.index_cast %swap3A : i32 to index
        %swap3A_117 = arith.index_cast %mul3A_115 : i32 to index
        %swap3A_118 = tpu.vector_load %arg16[%swap3A_116, %swap3A_117] {strides = array<i32>} : memref<16x2064xf32, #tpu.memory_space<vmem>>, vector<16xf32>,
        tpu.vector_store %arg16[%swap3A_116, %swap3A_117], %broadcast_in_dim3A_5 {strides = array<i32>} : memref<16x2064xf32, #tpu.memory_space<vmem>>, vector<16xf32>,
        %mul3A_119 = arith.constant 16 : i32
        %mul3A_120 = arith.muli %scan3A_113, %mul3A_119 : i32
        %swap3A_121 = arith.constant 4 : i32
        %swap3A_122 = arith.index_cast %swap3A_121 : i32 to index
        %swap3A_123 = arith.index_cast %mul3A_120 : i32 to index
        %swap3A_124 = tpu.vector_load %arg17[%swap3A_122, %swap3A_123] {strides = array<i32>} : memref<16x2064xf32, #tpu.memory_space<vmem>>, vector<16xf32>,
        tpu.vector_store %arg17[%swap3A_122, %swap3A_123], %broadcast_in_dim3A_5 {strides = array<i32>} : memref<16x2064xf32, #tpu.memory_space<vmem>>, vector<16xf32>,
      }
      %scan3A_34 = arith.constant 129 : i32
      %scan3A_35 = arith.constant 0 : i32
      %scan3A_36 = arith.constant 0 : i32
      %scan3A_37 = arith.constant 129 : i32
      %scan3A_38 = arith.addi %scan3A_36, %scan3A_37 : i32
      %scan3A_39 = arith.constant 1 : i32
      scf.for %scan3A_113 = %scan3A_36 to %scan3A_38 step %scan3A_39  : i32 {
        %mul3A_114 = arith.constant 16 : i32
        %mul3A_115 = arith.muli %scan3A_113, %mul3A_114 : i32
        %swap3A = arith.constant 5 : i32
        %swap3A_116 = arith.index_cast %swap3A : i32 to index
        %swap3A_117 = arith.index_cast %mul3A_115 : i32 to index
        %swap3A_118 = tpu.vector_load %arg16[%swap3A_116, %swap3A_117] {strides = array<i32>} : memref<16x2064xf32, #tpu.memory_space<vmem>>, vector<16xf32>,
        tpu.vector_store %arg16[%swap3A_116, %swap3A_117], %broadcast_in_dim3A_5 {strides = array<i32>} : memref<16x2064xf32, #tpu.memory_space<vmem>>, vector<16xf32>,
        %mul3A_119 = arith.constant 16 : i32
        %mul3A_120 = arith.muli %scan3A_113, %mul3A_119 : i32
        %swap3A_121 = arith.constant 5 : i32
        %swap3A_122 = arith.index_cast %swap3A_121 : i32 to index
        %swap3A_123 = arith.index_cast %mul3A_120 : i32 to index
        %swap3A_124 = tpu.vector_load %arg17[%swap3A_122, %swap3A_123] {strides = array<i32>} : memref<16x2064xf32, #tpu.memory_space<vmem>>, vector<16xf32>,
        tpu.vector_store %arg17[%swap3A_122, %swap3A_123], %broadcast_in_dim3A_5 {strides = array<i32>} : memref<16x2064xf32, #tpu.memory_space<vmem>>, vector<16xf32>,
      }
      %scan3A_40 = arith.constant 129 : i32
      %scan3A_41 = arith.constant 0 : i32
      %scan3A_42 = arith.constant 0 : i32
      %scan3A_43 = arith.constant 129 : i32
      %scan3A_44 = arith.addi %scan3A_42, %scan3A_43 : i32
      %scan3A_45 = arith.constant 1 : i32
      scf.for %scan3A_113 = %scan3A_42 to %scan3A_44 step %scan3A_45  : i32 {
        %mul3A_114 = arith.constant 16 : i32
        %mul3A_115 = arith.muli %scan3A_113, %mul3A_114 : i32
        %swap3A = arith.constant 6 : i32
        %swap3A_116 = arith.index_cast %swap3A : i32 to index
        %swap3A_117 = arith.index_cast %mul3A_115 : i32 to index
        %swap3A_118 = tpu.vector_load %arg16[%swap3A_116, %swap3A_117] {strides = array<i32>} : memref<16x2064xf32, #tpu.memory_space<vmem>>, vector<16xf32>,
        tpu.vector_store %arg16[%swap3A_116, %swap3A_117], %broadcast_in_dim3A_5 {strides = array<i32>} : memref<16x2064xf32, #tpu.memory_space<vmem>>, vector<16xf32>,
        %mul3A_119 = arith.constant 16 : i32
        %mul3A_120 = arith.muli %scan3A_113, %mul3A_119 : i32
        %swap3A_121 = arith.constant 6 : i32
        %swap3A_122 = arith.index_cast %swap3A_121 : i32 to index
        %swap3A_123 = arith.index_cast %mul3A_120 : i32 to index
        %swap3A_124 = tpu.vector_load %arg17[%swap3A_122, %swap3A_123] {strides = array<i32>} : memref<16x2064xf32, #tpu.memory_space<vmem>>, vector<16xf32>,
        tpu.vector_store %arg17[%swap3A_122, %swap3A_123], %broadcast_in_dim3A_5 {strides = array<i32>} : memref<16x2064xf32, #tpu.memory_space<vmem>>, vector<16xf32>,
      }
      %scan3A_46 = arith.constant 129 : i32
      %scan3A_47 = arith.constant 0 : i32
      %scan3A_48 = arith.constant 0 : i32
      %scan3A_49 = arith.constant 129 : i32
      %scan3A_50 = arith.addi %scan3A_48, %scan3A_49 : i32
      %scan3A_51 = arith.constant 1 : i32
      scf.for %scan3A_113 = %scan3A_48 to %scan3A_50 step %scan3A_51  : i32 {
        %mul3A_114 = arith.constant 16 : i32
        %mul3A_115 = arith.muli %scan3A_113, %mul3A_114 : i32
        %swap3A = arith.constant 7 : i32
        %swap3A_116 = arith.index_cast %swap3A : i32 to index
        %swap3A_117 = arith.index_cast %mul3A_115 : i32 to index
        %swap3A_118 = tpu.vector_load %arg16[%swap3A_116, %swap3A_117] {strides = array<i32>} : memref<16x2064xf32, #tpu.memory_space<vmem>>, vector<16xf32>,
        tpu.vector_store %arg16[%swap3A_116, %swap3A_117], %broadcast_in_dim3A_5 {strides = array<i32>} : memref<16x2064xf32, #tpu.memory_space<vmem>>, vector<16xf32>,
        %mul3A_119 = arith.constant 16 : i32
        %mul3A_120 = arith.muli %scan3A_113, %mul3A_119 : i32
        %swap3A_121 = arith.constant 7 : i32
        %swap3A_122 = arith.index_cast %swap3A_121 : i32 to index
        %swap3A_123 = arith.index_cast %mul3A_120 : i32 to index
        %swap3A_124 = tpu.vector_load %arg17[%swap3A_122, %swap3A_123] {strides = array<i32>} : memref<16x2064xf32, #tpu.memory_space<vmem>>, vector<16xf32>,
        tpu.vector_store %arg17[%swap3A_122, %swap3A_123], %broadcast_in_dim3A_5 {strides = array<i32>} : memref<16x2064xf32, #tpu.memory_space<vmem>>, vector<16xf32>,
      }
      %scan3A_52 = arith.constant 129 : i32
      %scan3A_53 = arith.constant 0 : i32
      %scan3A_54 = arith.constant 0 : i32
      %scan3A_55 = arith.constant 129 : i32
      %scan3A_56 = arith.addi %scan3A_54, %scan3A_55 : i32
      %scan3A_57 = arith.constant 1 : i32
      scf.for %scan3A_113 = %scan3A_54 to %scan3A_56 step %scan3A_57  : i32 {
        %mul3A_114 = arith.constant 16 : i32
        %mul3A_115 = arith.muli %scan3A_113, %mul3A_114 : i32
        %swap3A = arith.constant 8 : i32
        %swap3A_116 = arith.index_cast %swap3A : i32 to index
        %swap3A_117 = arith.index_cast %mul3A_115 : i32 to index
        %swap3A_118 = tpu.vector_load %arg16[%swap3A_116, %swap3A_117] {strides = array<i32>} : memref<16x2064xf32, #tpu.memory_space<vmem>>, vector<16xf32>,
        tpu.vector_store %arg16[%swap3A_116, %swap3A_117], %broadcast_in_dim3A_5 {strides = array<i32>} : memref<16x2064xf32, #tpu.memory_space<vmem>>, vector<16xf32>,
        %mul3A_119 = arith.constant 16 : i32
        %mul3A_120 = arith.muli %scan3A_113, %mul3A_119 : i32
        %swap3A_121 = arith.constant 8 : i32
        %swap3A_122 = arith.index_cast %swap3A_121 : i32 to index
        %swap3A_123 = arith.index_cast %mul3A_120 : i32 to index
        %swap3A_124 = tpu.vector_load %arg17[%swap3A_122, %swap3A_123] {strides = array<i32>} : memref<16x2064xf32, #tpu.memory_space<vmem>>, vector<16xf32>,
        tpu.vector_store %arg17[%swap3A_122, %swap3A_123], %broadcast_in_dim3A_5 {strides = array<i32>} : memref<16x2064xf32, #tpu.memory_space<vmem>>, vector<16xf32>,
      }
      %scan3A_58 = arith.constant 129 : i32
      %scan3A_59 = arith.constant 0 : i32
      %scan3A_60 = arith.constant 0 : i32
      %scan3A_61 = arith.constant 129 : i32
      %scan3A_62 = arith.addi %scan3A_60, %scan3A_61 : i32
      %scan3A_63 = arith.constant 1 : i32
      scf.for %scan3A_113 = %scan3A_60 to %scan3A_62 step %scan3A_63  : i32 {
        %mul3A_114 = arith.constant 16 : i32
        %mul3A_115 = arith.muli %scan3A_113, %mul3A_114 : i32
        %swap3A = arith.constant 9 : i32
        %swap3A_116 = arith.index_cast %swap3A : i32 to index
        %swap3A_117 = arith.index_cast %mul3A_115 : i32 to index
        %swap3A_118 = tpu.vector_load %arg16[%swap3A_116, %swap3A_117] {strides = array<i32>} : memref<16x2064xf32, #tpu.memory_space<vmem>>, vector<16xf32>,
        tpu.vector_store %arg16[%swap3A_116, %swap3A_117], %broadcast_in_dim3A_5 {strides = array<i32>} : memref<16x2064xf32, #tpu.memory_space<vmem>>, vector<16xf32>,
        %mul3A_119 = arith.constant 16 : i32
        %mul3A_120 = arith.muli %scan3A_113, %mul3A_119 : i32
        %swap3A_121 = arith.constant 9 : i32
        %swap3A_122 = arith.index_cast %swap3A_121 : i32 to index
        %swap3A_123 = arith.index_cast %mul3A_120 : i32 to index
        %swap3A_124 = tpu.vector_load %arg17[%swap3A_122, %swap3A_123] {strides = array<i32>} : memref<16x2064xf32, #tpu.memory_space<vmem>>, vector<16xf32>,
        tpu.vector_store %arg17[%swap3A_122, %swap3A_123], %broadcast_in_dim3A_5 {strides = array<i32>} : memref<16x2064xf32, #tpu.memory_space<vmem>>, vector<16xf32>,
      }
      %scan3A_64 = arith.constant 129 : i32
      %scan3A_65 = arith.constant 0 : i32
      %scan3A_66 = arith.constant 0 : i32
      %scan3A_67 = arith.constant 129 : i32
      %scan3A_68 = arith.addi %scan3A_66, %scan3A_67 : i32
      %scan3A_69 = arith.constant 1 : i32
      scf.for %scan3A_113 = %scan3A_66 to %scan3A_68 step %scan3A_69  : i32 {
        %mul3A_114 = arith.constant 16 : i32
        %mul3A_115 = arith.muli %scan3A_113, %mul3A_114 : i32
        %swap3A = arith.constant 10 : i32
        %swap3A_116 = arith.index_cast %swap3A : i32 to index
        %swap3A_117 = arith.index_cast %mul3A_115 : i32 to index
        %swap3A_118 = tpu.vector_load %arg16[%swap3A_116, %swap3A_117] {strides = array<i32>} : memref<16x2064xf32, #tpu.memory_space<vmem>>, vector<16xf32>,
        tpu.vector_store %arg16[%swap3A_116, %swap3A_117], %broadcast_in_dim3A_5 {strides = array<i32>} : memref<16x2064xf32, #tpu.memory_space<vmem>>, vector<16xf32>,
        %mul3A_119 = arith.constant 16 : i32
        %mul3A_120 = arith.muli %scan3A_113, %mul3A_119 : i32
        %swap3A_121 = arith.constant 10 : i32
        %swap3A_122 = arith.index_cast %swap3A_121 : i32 to index
        %swap3A_123 = arith.index_cast %mul3A_120 : i32 to index
        %swap3A_124 = tpu.vector_load %arg17[%swap3A_122, %swap3A_123] {strides = array<i32>} : memref<16x2064xf32, #tpu.memory_space<vmem>>, vector<16xf32>,
        tpu.vector_store %arg17[%swap3A_122, %swap3A_123], %broadcast_in_dim3A_5 {strides = array<i32>} : memref<16x2064xf32, #tpu.memory_space<vmem>>, vector<16xf32>,
      }
      %scan3A_70 = arith.constant 129 : i32
      %scan3A_71 = arith.constant 0 : i32
      %scan3A_72 = arith.constant 0 : i32
      %scan3A_73 = arith.constant 129 : i32
      %scan3A_74 = arith.addi %scan3A_72, %scan3A_73 : i32
      %scan3A_75 = arith.constant 1 : i32
      scf.for %scan3A_113 = %scan3A_72 to %scan3A_74 step %scan3A_75  : i32 {
        %mul3A_114 = arith.constant 16 : i32
        %mul3A_115 = arith.muli %scan3A_113, %mul3A_114 : i32
        %swap3A = arith.constant 11 : i32
        %swap3A_116 = arith.index_cast %swap3A : i32 to index
        %swap3A_117 = arith.index_cast %mul3A_115 : i32 to index
        %swap3A_118 = tpu.vector_load %arg16[%swap3A_116, %swap3A_117] {strides = array<i32>} : memref<16x2064xf32, #tpu.memory_space<vmem>>, vector<16xf32>,
        tpu.vector_store %arg16[%swap3A_116, %swap3A_117], %broadcast_in_dim3A_5 {strides = array<i32>} : memref<16x2064xf32, #tpu.memory_space<vmem>>, vector<16xf32>,
        %mul3A_119 = arith.constant 16 : i32
        %mul3A_120 = arith.muli %scan3A_113, %mul3A_119 : i32
        %swap3A_121 = arith.constant 11 : i32
        %swap3A_122 = arith.index_cast %swap3A_121 : i32 to index
        %swap3A_123 = arith.index_cast %mul3A_120 : i32 to index
        %swap3A_124 = tpu.vector_load %arg17[%swap3A_122, %swap3A_123] {strides = array<i32>} : memref<16x2064xf32, #tpu.memory_space<vmem>>, vector<16xf32>,
        tpu.vector_store %arg17[%swap3A_122, %swap3A_123], %broadcast_in_dim3A_5 {strides = array<i32>} : memref<16x2064xf32, #tpu.memory_space<vmem>>, vector<16xf32>,
      }
      %scan3A_76 = arith.constant 129 : i32
      %scan3A_77 = arith.constant 0 : i32
      %scan3A_78 = arith.constant 0 : i32
      %scan3A_79 = arith.constant 129 : i32
      %scan3A_80 = arith.addi %scan3A_78, %scan3A_79 : i32
      %scan3A_81 = arith.constant 1 : i32
      scf.for %scan3A_113 = %scan3A_78 to %scan3A_80 step %scan3A_81  : i32 {
        %mul3A_114 = arith.constant 16 : i32
        %mul3A_115 = arith.muli %scan3A_113, %mul3A_114 : i32
        %swap3A = arith.constant 12 : i32
        %swap3A_116 = arith.index_cast %swap3A : i32 to index
        %swap3A_117 = arith.index_cast %mul3A_115 : i32 to index
        %swap3A_118 = tpu.vector_load %arg16[%swap3A_116, %swap3A_117] {strides = array<i32>} : memref<16x2064xf32, #tpu.memory_space<vmem>>, vector<16xf32>,
        tpu.vector_store %arg16[%swap3A_116, %swap3A_117], %broadcast_in_dim3A_5 {strides = array<i32>} : memref<16x2064xf32, #tpu.memory_space<vmem>>, vector<16xf32>,
        %mul3A_119 = arith.constant 16 : i32
        %mul3A_120 = arith.muli %scan3A_113, %mul3A_119 : i32
        %swap3A_121 = arith.constant 12 : i32
        %swap3A_122 = arith.index_cast %swap3A_121 : i32 to index
        %swap3A_123 = arith.index_cast %mul3A_120 : i32 to index
        %swap3A_124 = tpu.vector_load %arg17[%swap3A_122, %swap3A_123] {strides = array<i32>} : memref<16x2064xf32, #tpu.memory_space<vmem>>, vector<16xf32>,
        tpu.vector_store %arg17[%swap3A_122, %swap3A_123], %broadcast_in_dim3A_5 {strides = array<i32>} : memref<16x2064xf32, #tpu.memory_space<vmem>>, vector<16xf32>,
      }
      %scan3A_82 = arith.constant 129 : i32
      %scan3A_83 = arith.constant 0 : i32
      %scan3A_84 = arith.constant 0 : i32
      %scan3A_85 = arith.constant 129 : i32
      %scan3A_86 = arith.addi %scan3A_84, %scan3A_85 : i32
      %scan3A_87 = arith.constant 1 : i32
      scf.for %scan3A_113 = %scan3A_84 to %scan3A_86 step %scan3A_87  : i32 {
        %mul3A_114 = arith.constant 16 : i32
        %mul3A_115 = arith.muli %scan3A_113, %mul3A_114 : i32
        %swap3A = arith.constant 13 : i32
        %swap3A_116 = arith.index_cast %swap3A : i32 to index
        %swap3A_117 = arith.index_cast %mul3A_115 : i32 to index
        %swap3A_118 = tpu.vector_load %arg16[%swap3A_116, %swap3A_117] {strides = array<i32>} : memref<16x2064xf32, #tpu.memory_space<vmem>>, vector<16xf32>,
        tpu.vector_store %arg16[%swap3A_116, %swap3A_117], %broadcast_in_dim3A_5 {strides = array<i32>} : memref<16x2064xf32, #tpu.memory_space<vmem>>, vector<16xf32>,
        %mul3A_119 = arith.constant 16 : i32
        %mul3A_120 = arith.muli %scan3A_113, %mul3A_119 : i32
        %swap3A_121 = arith.constant 13 : i32
        %swap3A_122 = arith.index_cast %swap3A_121 : i32 to index
        %swap3A_123 = arith.index_cast %mul3A_120 : i32 to index
        %swap3A_124 = tpu.vector_load %arg17[%swap3A_122, %swap3A_123] {strides = array<i32>} : memref<16x2064xf32, #tpu.memory_space<vmem>>, vector<16xf32>,
        tpu.vector_store %arg17[%swap3A_122, %swap3A_123], %broadcast_in_dim3A_5 {strides = array<i32>} : memref<16x2064xf32, #tpu.memory_space<vmem>>, vector<16xf32>,
      }
      %scan3A_88 = arith.constant 129 : i32
      %scan3A_89 = arith.constant 0 : i32
      %scan3A_90 = arith.constant 0 : i32
      %scan3A_91 = arith.constant 129 : i32
      %scan3A_92 = arith.addi %scan3A_90, %scan3A_91 : i32
      %scan3A_93 = arith.constant 1 : i32
      scf.for %scan3A_113 = %scan3A_90 to %scan3A_92 step %scan3A_93  : i32 {
        %mul3A_114 = arith.constant 16 : i32
        %mul3A_115 = arith.muli %scan3A_113, %mul3A_114 : i32
        %swap3A = arith.constant 14 : i32
        %swap3A_116 = arith.index_cast %swap3A : i32 to index
        %swap3A_117 = arith.index_cast %mul3A_115 : i32 to index
        %swap3A_118 = tpu.vector_load %arg16[%swap3A_116, %swap3A_117] {strides = array<i32>} : memref<16x2064xf32, #tpu.memory_space<vmem>>, vector<16xf32>,
        tpu.vector_store %arg16[%swap3A_116, %swap3A_117], %broadcast_in_dim3A_5 {strides = array<i32>} : memref<16x2064xf32, #tpu.memory_space<vmem>>, vector<16xf32>,
        %mul3A_119 = arith.constant 16 : i32
        %mul3A_120 = arith.muli %scan3A_113, %mul3A_119 : i32
        %swap3A_121 = arith.constant 14 : i32
        %swap3A_122 = arith.index_cast %swap3A_121 : i32 to index
        %swap3A_123 = arith.index_cast %mul3A_120 : i32 to index
        %swap3A_124 = tpu.vector_load %arg17[%swap3A_122, %swap3A_123] {strides = array<i32>} : memref<16x2064xf32, #tpu.memory_space<vmem>>, vector<16xf32>,
        tpu.vector_store %arg17[%swap3A_122, %swap3A_123], %broadcast_in_dim3A_5 {strides = array<i32>} : memref<16x2064xf32, #tpu.memory_space<vmem>>, vector<16xf32>,
      }
      %scan3A_94 = arith.constant 129 : i32
      %scan3A_95 = arith.constant 0 : i32
      %scan3A_96 = arith.constant 0 : i32
      %scan3A_97 = arith.constant 129 : i32
      %scan3A_98 = arith.addi %scan3A_96, %scan3A_97 : i32
      %scan3A_99 = arith.constant 1 : i32
      scf.for %scan3A_113 = %scan3A_96 to %scan3A_98 step %scan3A_99  : i32 {
        %mul3A_114 = arith.constant 16 : i32
        %mul3A_115 = arith.muli %scan3A_113, %mul3A_114 : i32
        %swap3A = arith.constant 15 : i32
        %swap3A_116 = arith.index_cast %swap3A : i32 to index
        %swap3A_117 = arith.index_cast %mul3A_115 : i32 to index
        %swap3A_118 = tpu.vector_load %arg16[%swap3A_116, %swap3A_117] {strides = array<i32>} : memref<16x2064xf32, #tpu.memory_space<vmem>>, vector<16xf32>,
        tpu.vector_store %arg16[%swap3A_116, %swap3A_117], %broadcast_in_dim3A_5 {strides = array<i32>} : memref<16x2064xf32, #tpu.memory_space<vmem>>, vector<16xf32>,
        %mul3A_119 = arith.constant 16 : i32
        %mul3A_120 = arith.muli %scan3A_113, %mul3A_119 : i32
        %swap3A_121 = arith.constant 15 : i32
        %swap3A_122 = arith.index_cast %swap3A_121 : i32 to index
        %swap3A_123 = arith.index_cast %mul3A_120 : i32 to index
        %swap3A_124 = tpu.vector_load %arg17[%swap3A_122, %swap3A_123] {strides = array<i32>} : memref<16x2064xf32, #tpu.memory_space<vmem>>, vector<16xf32>,
        tpu.vector_store %arg17[%swap3A_122, %swap3A_123], %broadcast_in_dim3A_5 {strides = array<i32>} : memref<16x2064xf32, #tpu.memory_space<vmem>>, vector<16xf32>,
      }
      %scan3A_100 = arith.constant 129 : i32
      %scan3A_101 = arith.constant 0 : i32
      %scan3A_102 = arith.constant 0 : i32
      %scan3A_103 = arith.constant 322 : i32
      %scan3A_104 = arith.addi %scan3A_102, %scan3A_103 : i32
      %scan3A_105 = arith.constant 1 : i32
      scf.for %scan3A_113 = %scan3A_102 to %scan3A_104 step %scan3A_105  : i32 {
        %mul3A_114 = arith.constant 16 : i32
        %mul3A_115 = arith.muli %scan3A_113, %mul3A_114 : i32
        %min3A = arith.constant 5132 : i32
        %min3A_116 = arith.minsi %mul3A_115, %min3A : i32
        %get3A = arith.index_cast %min3A_116 : i32 to index
        %get3A_117 = tpu.vector_load %arg10[%get3A] {strides = array<i32>} : memref<5148xi32, #tpu.memory_space<vmem>>, vector<16xi32>,
        %get3A_118 = arith.index_cast %min3A_116 : i32 to index
        %get3A_119 = tpu.vector_load %arg11[%get3A_118] {strides = array<i32>} : memref<5148xi32, #tpu.memory_space<vmem>>, vector<16xi32>,
        %get3A_120 = arith.index_cast %min3A_116 : i32 to index
        %get3A_121 = tpu.vector_load %arg12[%get3A_120] {strides = array<i32>} : memref<5148xf32, #tpu.memory_space<vmem>>, vector<16xf32>,
        %sub3A = vector.broadcast %mul3A_2 : i32 to vector<16xi32>
        %sub3A_122 = arith.subi %get3A_117, %sub3A : vector<16xi32>
        %ge3A = arith.constant 0 : i32
        %ge3A_123 = vector.broadcast %ge3A : i32 to vector<16xi32>
        %ge3A_124 = arith.cmpi sge, %sub3A_122, %ge3A_123 : vector<16xi32>
        %lt3A_125 = arith.constant 16 : i32
        %lt3A_126 = vector.broadcast %lt3A_125 : i32 to vector<16xi32>
        %lt3A_127 = arith.cmpi slt, %sub3A_122, %lt3A_126 : vector<16xi32>
        %and3A = arith.andi %ge3A_124, %lt3A_127 : vector<16xi1>
        %jit3A = arith.constant 0 : i32
        %jit3A_128 = arith.constant 15 : i32
        %max3A = vector.broadcast %jit3A : i32 to vector<16xi32>
        %max3A_129 = arith.maxsi %max3A, %sub3A_122 : vector<16xi32>
        %min3A_130 = vector.broadcast %jit3A_128 : i32 to vector<16xi32>
        %min3A_131 = arith.minsi %min3A_130, %max3A_129 : vector<16xi32>
        tpu.vector_store_idx %arg16[%min3A_131, %get3A_119], %get3A_121 masked %and3A : memref<16x2064xf32, #tpu.memory_space<vmem>>[vector<16xi32>, vector<16xi32>], vector<16xf32>, vector<16xi1>
      }
      %scan3A_106 = arith.constant 322 : i32
      %scan3A_107 = arith.constant 0 : i32
      %scan3A_108 = arith.constant 0 : i32
      %scan3A_109 = arith.constant 207 : i32
      %scan3A_110 = arith.addi %scan3A_108, %scan3A_109 : i32
      %scan3A_111 = arith.constant 1 : i32
      scf.for %scan3A_113 = %scan3A_108 to %scan3A_110 step %scan3A_111  : i32 {
        %mul3A_114 = arith.constant 16 : i32
        %mul3A_115 = arith.muli %scan3A_113, %mul3A_114 : i32
        %min3A = arith.constant 3287 : i32
        %min3A_116 = arith.minsi %mul3A_115, %min3A : i32
        %get3A = arith.index_cast %min3A_116 : i32 to index
        %get3A_117 = tpu.vector_load %arg13[%get3A] {strides = array<i32>} : memref<3303xi32, #tpu.memory_space<vmem>>, vector<16xi32>,
        %get3A_118 = arith.index_cast %min3A_116 : i32 to index
        %get3A_119 = tpu.vector_load %arg14[%get3A_118] {strides = array<i32>} : memref<3303xi32, #tpu.memory_space<vmem>>, vector<16xi32>,
        %get3A_120 = arith.index_cast %min3A_116 : i32 to index
        %get3A_121 = tpu.vector_load %arg15[%get3A_120] {strides = array<i32>} : memref<3303xf32, #tpu.memory_space<vmem>>, vector<16xf32>,
        %sub3A = vector.broadcast %mul3A_2 : i32 to vector<16xi32>
        %sub3A_122 = arith.subi %get3A_117, %sub3A : vector<16xi32>
        %ge3A = arith.constant 0 : i32
        %ge3A_123 = vector.broadcast %ge3A : i32 to vector<16xi32>
        %ge3A_124 = arith.cmpi sge, %sub3A_122, %ge3A_123 : vector<16xi32>
        %lt3A_125 = arith.constant 16 : i32
        %lt3A_126 = vector.broadcast %lt3A_125 : i32 to vector<16xi32>
        %lt3A_127 = arith.cmpi slt, %sub3A_122, %lt3A_126 : vector<16xi32>
        %and3A = arith.andi %ge3A_124, %lt3A_127 : vector<16xi1>
        %jit3A = arith.constant 0 : i32
        %jit3A_128 = arith.constant 15 : i32
        %max3A = vector.broadcast %jit3A : i32 to vector<16xi32>
        %max3A_129 = arith.maxsi %max3A, %sub3A_122 : vector<16xi32>
        %min3A_130 = vector.broadcast %jit3A_128 : i32 to vector<16xi32>
        %min3A_131 = arith.minsi %min3A_130, %max3A_129 : vector<16xi32>
        tpu.vector_store_idx %arg17[%min3A_131, %get3A_119], %get3A_121 masked %and3A : memref<16x2064xf32, #tpu.memory_space<vmem>>[vector<16xi32>, vector<16xi32>], vector<16xf32>, vector<16xi1>
      }
      %scan3A_112 = arith.constant 207 : i32
      "tpu.region"() ({
        %run_scoped3A = tpu.sem_alloc : memref<!tpu.dma_semaphore, #tpu.memory_space<semaphore_mem>>
        %dma_start3A = arith.constant 0 : i32
        %dma_start3A_113 = tpu.memref_slice %arg8[%mul3A_2, %dma_start3A] : memref<448x2064xf32, #tpu.memory_space<hbm>> -> memref<16x2064xf32, #tpu.memory_space<hbm>>
        %dma_start3A_114 = arith.constant 0 : i32
        %dma_start3A_115 = tpu.memref_slice %arg8[%mul3A_2, %dma_start3A_114] : memref<448x2064xf32, #tpu.memory_space<hbm>> -> memref<16x2064xf32, #tpu.memory_space<hbm>>
        tpu.enqueue_dma source(%arg16 : memref<16x2064xf32, #tpu.memory_space<vmem>>) target(%dma_start3A_115 : memref<16x2064xf32, #tpu.memory_space<hbm>>) target_semaphore(%run_scoped3A : memref<!tpu.dma_semaphore, #tpu.memory_space<semaphore_mem>>)
        %dma_wait3A = arith.constant 0 : i32
        %dma_wait3A_116 = tpu.memref_slice %arg8[%mul3A_2, %dma_wait3A] : memref<448x2064xf32, #tpu.memory_space<hbm>> -> memref<16x2064xf32, #tpu.memory_space<hbm>>
        %dma_wait3A_117 = arith.constant 0 : i32
        %dma_wait3A_118 = tpu.memref_slice %arg8[%mul3A_2, %dma_wait3A_117] : memref<448x2064xf32, #tpu.memory_space<hbm>> -> memref<16x2064xf32, #tpu.memory_space<hbm>>
        tpu.wait_dma2 semaphore(%run_scoped3A : memref<!tpu.dma_semaphore, #tpu.memory_space<semaphore_mem>>) src(%arg16 : memref<16x2064xf32, #tpu.memory_space<vmem>>) dst(%dma_wait3A_118 : memref<16x2064xf32, #tpu.memory_space<hbm>>)
        tpu.yield
      }) : () -> ()
      "tpu.region"() ({
        %run_scoped3A = tpu.sem_alloc : memref<!tpu.dma_semaphore, #tpu.memory_space<semaphore_mem>>
        %dma_start3A = arith.constant 0 : i32
        %dma_start3A_113 = tpu.memref_slice %arg9[%mul3A_2, %dma_start3A] : memref<448x2064xf32, #tpu.memory_space<hbm>> -> memref<16x2064xf32, #tpu.memory_space<hbm>>
        %dma_start3A_114 = arith.constant 0 : i32
        %dma_start3A_115 = tpu.memref_slice %arg9[%mul3A_2, %dma_start3A_114] : memref<448x2064xf32, #tpu.memory_space<hbm>> -> memref<16x2064xf32, #tpu.memory_space<hbm>>
        tpu.enqueue_dma source(%arg17 : memref<16x2064xf32, #tpu.memory_space<vmem>>) target(%dma_start3A_115 : memref<16x2064xf32, #tpu.memory_space<hbm>>) target_semaphore(%run_scoped3A : memref<!tpu.dma_semaphore, #tpu.memory_space<semaphore_mem>>)
        %dma_wait3A = arith.constant 0 : i32
        %dma_wait3A_116 = tpu.memref_slice %arg9[%mul3A_2, %dma_wait3A] : memref<448x2064xf32, #tpu.memory_space<hbm>> -> memref<16x2064xf32, #tpu.memory_space<hbm>>
        %dma_wait3A_117 = arith.constant 0 : i32
        %dma_wait3A_118 = tpu.memref_slice %arg9[%mul3A_2, %dma_wait3A_117] : memref<448x2064xf32, #tpu.memory_space<hbm>> -> memref<16x2064xf32, #tpu.memory_space<hbm>>
        tpu.wait_dma2 semaphore(%run_scoped3A : memref<!tpu.dma_semaphore, #tpu.memory_space<semaphore_mem>>) src(%arg17 : memref<16x2064xf32, #tpu.memory_space<vmem>>) dst(%dma_wait3A_118 : memref<16x2064xf32, #tpu.memory_space<hbm>>)
        tpu.yield
      }) : () -> ()
    } else {
    }
    return
  }
}

module attributes {stable_mosaic.version = 14 : i64} {
  func.func @_mm_body(%arg0: i32, %arg1: memref<1x512x2049xf32, #tpu.memory_space<vmem>>, %arg2: memref<1x512x2049xf32, #tpu.memory_space<vmem>>, %arg3: memref<448x2064xf32, #tpu.memory_space<vmem>>, %arg4: memref<448x2064xf32, #tpu.memory_space<vmem>>, %arg5: memref<1x448x512xf32, #tpu.memory_space<vmem>>, %arg6: memref<1x448x512xf32, #tpu.memory_space<vmem>>) attributes {dimension_semantics = [#tpu.dimension_semantics<arbitrary>], iteration_bounds = array<i64: 8>, scalar_prefetch = 0 : i64, scratch_operands = 0 : i64, tpu.core_type = #tpu.core_type<tc>, window_params = [{transform_indices = @transform_0, window_bounds = array<i64: 1, 512, 2049>}, {transform_indices = @transform_1, window_bounds = array<i64: 1, 512, 2049>}, {pipeline_mode = #tpu.pipeline_mode<synchronous>, transform_indices = @transform_2, window_bounds = array<i64: 448, 2064>}, {pipeline_mode = #tpu.pipeline_mode<synchronous>, transform_indices = @transform_3, window_bounds = array<i64: 448, 2064>}, {transform_indices = @transform_4, window_bounds = array<i64: 1, 448, 512>}, {transform_indices = @transform_5, window_bounds = array<i64: 1, 448, 512>}]} {
    %get3A = arith.constant 0 : index
    %get3A_0 = arith.constant 0 : index
    %get3A_1 = vector.load %arg3[%get3A, %get3A_0] : memref<448x2064xf32, #tpu.memory_space<vmem>>, vector<448x2064xf32>
    %slice3A = vector.extract_strided_slice %get3A_1 {offsets = [0, 0], sizes = [448, 2049], strides = [1, 1]} : vector<448x2064xf32> to vector<448x2049xf32>
    %convert_element_type3A = arith.truncf %slice3A : vector<448x2049xf32> to vector<448x2049xbf16>
    %get3A_2 = arith.constant 0 : index
    %get3A_3 = arith.constant 0 : index
    %get3A_4 = vector.load %arg4[%get3A_2, %get3A_3] : memref<448x2064xf32, #tpu.memory_space<vmem>>, vector<448x2064xf32>
    %slice3A_5 = vector.extract_strided_slice %get3A_4 {offsets = [0, 0], sizes = [448, 2049], strides = [1, 1]} : vector<448x2064xf32> to vector<448x2049xf32>
    %convert_element_type3A_6 = arith.truncf %slice3A_5 : vector<448x2049xf32> to vector<448x2049xbf16>
    %get3A_7 = arith.constant 0 : index
    %get3A_8 = arith.constant 0 : index
    %get3A_9 = arith.constant 0 : index
    %get3A_10 = vector.load %arg1[%get3A_7, %get3A_8, %get3A_9] : memref<1x512x2049xf32, #tpu.memory_space<vmem>>, vector<1x512x2049xf32>
    %get3A_11 = vector.shape_cast %get3A_10 : vector<1x512x2049xf32> to vector<512x2049xf32>
    %convert_element_type3A_12 = arith.truncf %get3A_11 : vector<512x2049xf32> to vector<512x2049xbf16>
    %dot_general3A = arith.constant dense<0.000000e+00> : vector<448x512xf32>
    %dot_general3A_13 = tpu.matmul %convert_element_type3A, %convert_element_type3A_12, %dot_general3A {dimension_numbers = #tpu.dot_dimension_numbers<[1], [1], [0], [0], [0, 0, 1, 0], [], []>, transpose_lhs_hint = false} : vector<448x2049xbf16>, vector<512x2049xbf16>, vector<448x512xf32> -> vector<448x512xf32>
    %swap3A = arith.constant 0 : index
    %swap3A_14 = arith.constant 0 : index
    %swap3A_15 = arith.constant 0 : index
    %swap3A_16 = vector.load %arg5[%swap3A, %swap3A_14, %swap3A_15] : memref<1x448x512xf32, #tpu.memory_space<vmem>>, vector<1x448x512xf32>
    %swap3A_17 = vector.shape_cast %swap3A_16 : vector<1x448x512xf32> to vector<448x512xf32>
    %swap3A_18 = vector.shape_cast %dot_general3A_13 : vector<448x512xf32> to vector<1x448x512xf32>
    tpu.vector_store %arg5[%swap3A, %swap3A_14, %swap3A_15], %swap3A_18 {strides = array<i32>} : memref<1x448x512xf32, #tpu.memory_space<vmem>>, vector<1x448x512xf32>,
    %get3A_19 = arith.constant 0 : index
    %get3A_20 = arith.constant 0 : index
    %get3A_21 = arith.constant 0 : index
    %get3A_22 = vector.load %arg2[%get3A_19, %get3A_20, %get3A_21] : memref<1x512x2049xf32, #tpu.memory_space<vmem>>, vector<1x512x2049xf32>
    %get3A_23 = vector.shape_cast %get3A_22 : vector<1x512x2049xf32> to vector<512x2049xf32>
    %convert_element_type3A_24 = arith.truncf %get3A_23 : vector<512x2049xf32> to vector<512x2049xbf16>
    %dot_general3A_25 = arith.constant dense<0.000000e+00> : vector<448x512xf32>
    %dot_general3A_26 = tpu.matmul %convert_element_type3A_6, %convert_element_type3A_24, %dot_general3A_25 {dimension_numbers = #tpu.dot_dimension_numbers<[1], [1], [0], [0], [0, 0, 1, 0], [], []>, transpose_lhs_hint = false} : vector<448x2049xbf16>, vector<512x2049xbf16>, vector<448x512xf32> -> vector<448x512xf32>
    %swap3A_27 = arith.constant 0 : index
    %swap3A_28 = arith.constant 0 : index
    %swap3A_29 = arith.constant 0 : index
    %swap3A_30 = vector.load %arg6[%swap3A_27, %swap3A_28, %swap3A_29] : memref<1x448x512xf32, #tpu.memory_space<vmem>>, vector<1x448x512xf32>
    %swap3A_31 = vector.shape_cast %swap3A_30 : vector<1x448x512xf32> to vector<448x512xf32>
    %swap3A_32 = vector.shape_cast %dot_general3A_26 : vector<448x512xf32> to vector<1x448x512xf32>
    tpu.vector_store %arg6[%swap3A_27, %swap3A_28, %swap3A_29], %swap3A_32 {strides = array<i32>} : memref<1x448x512xf32, #tpu.memory_space<vmem>>, vector<1x448x512xf32>,
    return
  }
  func.func @transform_0(%arg0: i32) -> (i32, i32, i32) {
    %c0_i32 = arith.constant 0 : i32
    %c0_i32_0 = arith.constant 0 : i32
    %c0_i32_1 = arith.constant 0 : i32
    return %arg0, %c0_i32, %c0_i32_0 : i32, i32, i32
  }
  func.func @transform_1(%arg0: i32) -> (i32, i32, i32) {
    %c0_i32 = arith.constant 0 : i32
    %c0_i32_0 = arith.constant 0 : i32
    %c0_i32_1 = arith.constant 0 : i32
    return %arg0, %c0_i32, %c0_i32_0 : i32, i32, i32
  }
  func.func @transform_2(%arg0: i32) -> (i32, i32) {
    %c0_i32 = arith.constant 0 : i32
    %c0_i32_0 = arith.constant 0 : i32
    %c0_i32_1 = arith.constant 0 : i32
    return %c0_i32, %c0_i32_0 : i32, i32
  }
  func.func @transform_3(%arg0: i32) -> (i32, i32) {
    %c0_i32 = arith.constant 0 : i32
    %c0_i32_0 = arith.constant 0 : i32
    %c0_i32_1 = arith.constant 0 : i32
    return %c0_i32, %c0_i32_0 : i32, i32
  }
  func.func @transform_4(%arg0: i32) -> (i32, i32, i32) {
    %c0_i32 = arith.constant 0 : i32
    %c0_i32_0 = arith.constant 0 : i32
    %c0_i32_1 = arith.constant 0 : i32
    return %arg0, %c0_i32, %c0_i32_0 : i32, i32, i32
  }
  func.func @transform_5(%arg0: i32) -> (i32, i32, i32) {
    %c0_i32 = arith.constant 0 : i32
    %c0_i32_0 = arith.constant 0 : i32
    %c0_i32_1 = arith.constant 0 : i32
    return %arg0, %c0_i32, %c0_i32_0 : i32, i32, i32
  }
}

</mosaic_0001>

<sc_bundles>
// kernel: kernel.4.cloned.1.call-start
scs
__scs_entry_jumppad:
0x0: {  	(pc) =	sbr.rel $0x88, $3  }
0x1: {  	(tag) =	ssettag $0x0;
	lr =	simm.s32 $0x1  }
0x2: {  	[smem:$0x3F99] =	sst lr;
	_ =	strace $0xD0000000  }
0x3: {  	_ = 	snop  }
0x4: {  	_ = 	snop  }
0x5: {  	_ = 	snop  }
0x6: {  	_ = 	snop  }
0x7: {  	_ = 	snop  }
__scs_overlays_trampoline_lowered:
0x8: {  	[smem:$0x3FA8] =	sst s0  }
0x9: {  	[smem:$0x3FA9] =	sst s1  }
0xa: {  	[smem:$0x3FAA] =	sst s2  }
0xb: {  	[smem:$0x3FAB] =	sst s3  }
0xc: {  	[smem:$0x3FAC] =	sst s4  }
0xd: {  	[smem:$0x3FAD] =	sst s5  }
0xe: {  	[smem:$0x3FAE] =	sst s6  }
0xf: {  	[smem:$0x3FAF] =	sst s7  }
0x10: {  	[smem:$0x3FB0] =	sst s8  }
0x11: {  	[smem:$0x3FB1] =	sst s9;
	s0 =	simm.s32 @!p0 $0x0  }
0x12: {  	s1 =	sld [smem:$0x3F97];
	s0 =	simm.s32 @p0 $0x1  }
0x13: {  	[smem:$0x3FB2] =	sst s0;
	s0 =	simm.s32 @!p1 $0x0  }
0x14: {  	s2 =	sld [smem:$0x3F96];
	s0 =	simm.s32 @p1 $0x1  }
0x15: {  	[smem:$0x3FB3] =	sst s0;
	s0 =	simm.s32 @!p2 $0x0  }
0x16: {  	s3 =	sld [smem:$0x3FDB];
	s0 =	simm.s32 @p2 $0x1  }
0x17: {  	s4 =	simm.s32 $0x1BF5;
	[smem:$0x3FB5] =	sst s0  }
0x18: {  	s0 =	sld [smem:$0x3F98];
	_ =	swait.ge [sflag:s4], $0x0  }
0x19: {  	s7 =	sld [smem:$0x3F99]  }
0x1a: {  	s8 =	sadd.s32 $0xFFFFE003, lr  }
0x1b: {  	s9 =	sadd.s32 $0xFFFFFEF7, lr;
	s5 =	simm.s32 $0xFFFFFFFF;
	p2 =	slt.u32 s8, $0xFFFFF086  }
0x1c: {  	p1 =	slt.u32 s9, $0xF7A;
	s5 =	simm.s32 @!p2 $0x0  }
0x1d: {  	s5 =	simm.s32 @p1 $0x1;
	p0 =	seq.s32 s7, s2  }
0x1e: {  	s7 =	smul.u32 @!p0 $0xF7A, s2;
	p2 =	seq.s32 @!p0 s5, $0x0  }
0x1f: {  	s9 =	smul.u32 $0xF7A, s1;
	s8 =	simm.s32 @!p0 $0x1BF5;
	p2 =	por !p2, p0  }
0x20: {  	[sflag:s8] =	ssyncset.s32 @!p0 $0xFFFFF086;
	s6 =	sadd.s32 @!p0 s3, s7;
	s7 =	simm.s32 @!p0 $0x108  }
0x21: {  	s3 =	sadd.s32 s3, s9;
	s6 =	sadd.s32 @!p0 $0x88, s6;
	s7 =	simm.s32 @p2 $0x1082  }
0x22: {  	[simem:s7], [sflag:s8] =	dma.local @!p0 [hbm:s6], $0xF7A  }
0x23: {  	s9 =	sor.u32 $0xD0000000, s2;
	s6 =	simm.s32 $0x108;
	_ =	swait.ge @!p0 [sflag:s8], $0x0  }
0x24: {  	s3 =	sadd.s32 $0x88, s3;
	s6 =	simm.s32 @!p1 $0x1082;
	[sflag:s4] =	ssyncset.s32 $0xFFFFF086  }
0x25: {  	[simem:s6], [sflag:s4] =	dma.local [hbm:s3], $0xF7A  }
0x26: {  	[smem:$0x3F99] =	sst s1;
	(tag) =	ssettag s2;
	_ =	strace s9  }
0x27: {  	s1 =	sld [smem:$0x3FA9]  }
0x28: {  	s2 =	sld [smem:$0x3FAA]  }
0x29: {  	s4 =	sld [smem:$0x3FAC]  }
0x2a: {  	p0 =	seq.s32 s5, $0x0;
	s5 =	sld [smem:$0x3FAD]  }
0x2b: {  	s6 =	sld [smem:$0x3FAE]  }
0x2c: {  	s7 =	sld [smem:$0x3FAF]  }
0x2d: {  	s3 =	simm.s32 $0x108;
	s8 =	sld [smem:$0x3FB0]  }
0x2e: {  	s3 =	simm.s32 @!p0 $0x1082;
	s9 =	sld [smem:$0x3FB1]  }
0x2f: {  	lr =	sadd.s32 s0, s3;
	s0 =	sld [smem:$0x3FA8]  }
0x30: {  	s3 =	sld [smem:$0x3FAB]  }
0x31: {  	[smem:$0x3FB4] =	sst s10  }
0x32: {  	s10 =	sld [smem:$0x3FB2];
	_ =	sdelay $0x3  }
0x33: {  	p0 =	seq.s32 s10, $0x1;
	s10 =	sld [smem:$0x3FB4];
	_ =	sdelay $0x3  }
0x34: {  	[smem:$0x3FB4] =	sst s10  }
0x35: {  	s10 =	sld [smem:$0x3FB3];
	_ =	sdelay $0x3  }
0x36: {  	p1 =	seq.s32 s10, $0x1;
	s10 =	sld [smem:$0x3FB4];
	_ =	sdelay $0x3  }
0x37: {  	[smem:$0x3FB4] =	sst s10  }
0x38: {  	s10 =	sld [smem:$0x3FB5]  }
0x39: {  	_ = 	snop;
	(pc) =	sbr.ind lr, $3  }
0x3a: {  	_ = 	snop  }
0x3b: {  	_ = 	snop  }
0x3c: {  	p2 =	seq.s32 s10, $0x1;
	s10 =	sld [smem:$0x3FB4]  }
0x3d: {  	_ =	shalt  }
0x3e: {  	_ =	shalt  }
0x3f: {  	_ =	shalt  }
0x40: {  	_ =	shalt  }
0x41: {  	_ =	shalt  }
0x42: {  	_ =	shalt  }
0x43: {  	_ =	shalt  }
0x44: {  	_ =	shalt  }
0x45: {  	_ =	shalt  }
0x46: {  	_ =	shalt  }
0x47: {  	_ =	shalt  }
0x48: {  	_ =	shalt  }
0x49: {  	_ =	shalt  }
0x4a: {  	_ =	shalt  }
0x4b: {  	_ =	shalt  }
0x4c: {  	_ =	shalt  }
0x4d: {  	_ =	shalt  }
0x4e: {  	_ =	shalt  }
0x4f: {  	_ =	shalt  }
0x50: {  	_ =	shalt  }
0x51: {  	_ =	shalt  }
0x52: {  	_ =	shalt  }
0x53: {  	_ =	shalt  }
0x54: {  	_ =	shalt  }
0x55: {  	_ =	shalt  }
0x56: {  	_ =	shalt  }
0x57: {  	_ =	shalt  }
0x58: {  	_ =	shalt  }
0x59: {  	_ =	shalt  }
0x5a: {  	_ =	shalt  }
0x5b: {  	_ =	shalt  }
0x5c: {  	_ =	shalt  }
0x5d: {  	_ =	shalt  }
0x5e: {  	_ =	shalt  }
0x5f: {  	_ =	shalt  }
0x60: {  	_ =	shalt  }
0x61: {  	_ =	shalt  }
0x62: {  	_ =	shalt  }
0x63: {  	_ =	shalt  }
0x64: {  	_ =	shalt  }
0x65: {  	_ =	shalt  }
0x66: {  	_ =	shalt  }
0x67: {  	_ =	shalt  }
0x68: {  	_ =	shalt  }
0x69: {  	_ =	shalt  }
0x6a: {  	_ =	shalt  }
0x6b: {  	_ =	shalt  }
0x6c: {  	_ =	shalt  }
0x6d: {  	_ =	shalt  }
0x6e: {  	_ =	shalt  }
0x6f: {  	_ =	shalt  }
0x70: {  	_ =	shalt  }
0x71: {  	_ =	shalt  }
0x72: {  	_ =	shalt  }
0x73: {  	_ =	shalt  }
0x74: {  	_ =	shalt  }
0x75: {  	_ =	shalt  }
0x76: {  	_ =	shalt  }
0x77: {  	_ =	shalt  }
0x78: {  	_ =	shalt  }
0x79: {  	_ =	shalt  }
0x7a: {  	_ =	shalt  }
0x7b: {  	_ =	shalt  }
0x7c: {  	_ =	shalt  }
0x7d: {  	_ =	shalt  }
0x7e: {  	_ =	shalt  }
0x7f: {  	_ =	shalt  }
0x80: {  	_ =	shalt  }
0x81: {  	_ =	shalt  }
0x82: {  	_ =	shalt  }
0x83: {  	_ =	shalt  }
0x84: {  	_ =	shalt  }
0x85: {  	_ =	shalt  }
0x86: {  	_ =	shalt  }
0x87: {  	_ =	shalt  }
.Lfunc_end0:
.L_simem_size_0:
called_computation_lowered:
.L_overlay_start_0:
0x88: {  	s2 =	sld [smem:$0x3FD9]  }
0x89: {  	s3 =	sld [smem:$0x3FFE];
	_ =	sdelay $0x1  }
0x8a: {  	s1 =	srdreg.scid  }
0x8b: {  	s0 =	sand.u32 $0x1, s1  }
0x8c: {  	s14 =	sshll.u32 s0, $0xA;
	s2 =	sadd.s32 s3, s2  }
0x8d: {  	s2 =	sadd.s32 s2, s14  }
0x8e: {  	[smem:$0x3FC0] =	sst s2  }
0x8f: {  	_ = 	snop  }
0x90: {  	s2 =	sld [smem:$0x3FC7]  }
0x91: {  	s15 =	sld [smem:$0x3FC6]  }
0x92: {  	s4 =	sld [smem:$0x3FC5]  }
0x93: {  	s5 =	sld [smem:$0x3FD0]  }
0x94: {  	s6 =	sld [smem:$0x3FC4]  }
0x95: {  	s7 =	sld [smem:$0x3FC3]  }
0x96: {  	s9 =	simm.s32 $0xA;
	s10 =	simm.s32 $0x10;
	s8 =	sld [smem:$0x3FC2]  }
0x97: {  	[smem:s10], [sflag:s9] =	dma.local [hbm:s5], $0x1  }
0x98: {  	_ =	swait.eq [sflag:s9], $0x1  }
0x99: {  	[sflag:s9] =	ssyncset.done $0x0  }
0x9a: {  	[sflag:s9] =	ssyncadd.s32 $0xFFFFFFFF  }
0x9b: {  	s16 =	sld [smem:$0x11];
	(tm) =	ssettm $0x1  }
0x9c: {  	s17 =	sld [smem:$0x3FFB];
	_ =	sdelay $0x3  }
0x9d: {  	_ =	strace s17  }
0x9e: {  	s9 =	sld [smem:$0x3FFC];
	_ =	sdelay $0x3  }
0x9f: {  	_ =	strace s9  }
0xa0: {  	s9 =	sld [smem:$0x3FFD];
	_ =	sdelay $0x3  }
0xa1: {  	_ =	strace s9  }
0xa2: {  	_ =	strace $0x8FFFFFFF  }
0xa3: {  	s18 =	sld [smem:$0x3FDB];
	_ =	sdelay $0x1  }
0xa4: {  	s19 =	simm.s32 $_scs_section_size  }
0xa5: {  	s11 =	simm.s32 $_size__tile_overlayer_lowered;
	s12 =	simm.s32 $_tile_overlayer_lowered  }
0xa6: {  	s22 =	simm.s32 $0x1BFF;
	s21 =	sshll.u32 s12, $0x1;
	s9 =	sadd.s32 s19, s18  }
0xa7: {  	s13 =	simm.s32 $0x0;
	s20 =	sshll.u32 s11, $0x1;
	s11 =	sadd.s32 s21, s9  }
0xa8: {  	[timem:s13], [sflag:s22] =	dma.local [hbm:s11], s20  }
0xa9: {  	_ =	swait.ge [sflag:s22], s20  }
0xaa: {  	s10 =	ssub.s32 $0x0, s20;
	[sflag:s22] =	ssyncset.done $0x0  }
0xab: {  	[sflag:s22] =	ssyncadd.s32 s10;
	_ =	sdelay $0x1  }
0xac: {  	s23 =	simm.s32 $0x1B8B  }
0xad: {  	_ =	swait.ge [sflag:s23], $0x1  }
0xae: {  	[sflag:s23] =	ssyncset.done $0x0  }
0xaf: {  	s25 =	simm.s32 $0x1B8E;
	s24 =	sld [smem:$0x3FFE];
	[sflag:s23] =	ssyncadd.s32 $0xFFFFFFFF  }
0xb0: {  	s26 =	simm.s32 $execute0_lowered;
	[smem:$0x3FD2] =	sst s25  }
0xb1: {  	s11 =	sshll.u32 s26, $0x1;
	_ =	strace $0x80000046;
	[dreg:$0x1] =	wrdreg $0xFFFFFFFF  }
0xb2: {  	s28 =	simm.s32 $_size_execute0_lowered;
	s9 =	sadd.s32 s9, s11;
	[dreg:$0x0] =	wrdreg $0x0  }
0xb3: {  	s11 =	sshll.u32 s28, $0x1;
	[dreg:$0x2] =	wrdreg s9  }
0xb4: {  	[dreg:$0x3] =	wrdreg s11  }
0xb5: {  	[dreg:$0x4] =	wrdreg $0xC0  }
0xb6: {  	_ =	task [dreg:s13], $0x5FFFF  }
0xb7: {  	[dreg:$0x1] =	wrdreg $0xFFFFFFFF  }
0xb8: {  	[dreg:$0x0] =	wrdreg $0x60  }
0xb9: {  	[dreg:$0x2] =	wrdreg s7  }
0xba: {  	[dreg:$0x3] =	wrdreg s8  }
0xbb: {  	[dreg:$0x4] =	wrdreg s15  }
0xbc: {  	[dreg:$0x5] =	wrdreg s4  }
0xbd: {  	[dreg:$0x6] =	wrdreg s6  }
0xbe: {  	[dreg:$0x7] =	wrdreg s2  }
0xbf: {  	[dreg:$0x8] =	wrdreg s16  }
0xc0: {  	[dreg:$0x9] =	wrdreg s24  }
0xc1: {  	[dreg:$0xa] =	wrdreg $0x9  }
0xc2: {  	_ =	task.clear_ibuf [dreg:s13], $0xBFFFF;
	_ =	strace $0x90000046  }
0xc3: {  	s29 =	simm.s32 $0x9;
	_ =	strace $0x80000048  }
0xc4: {  	_ =	swait.ge [sflag:s29], $0x1  }
0xc5: {  	[sflag:s29] =	ssyncadd.s32 $0xFFFFFFFF  }
0xc6: {  	_ =	strace $0x90000048  }
0xc7: {  	_ =	sfence  }
0xc8: {  	s30 =	sld [smem:$0x0];
	_ =	sdelay $0x2  }
0xc9: {  	s31 =	sshll.u32 s1, $0xD;
	s1 =	sshrl.u32 s1, $0x2  }
0xca: {  	s3 =	sand.u32 $0x4000, s31;
	s1 =	sadd.s32 s1, s30  }
0xcb: {  	s0 =	sor.u32 s3, s0;
	s1 =	sshll.u32 s1, $0x11  }
0xcc: {  	s0 =	sor.u32 s1, s0  }
0xcd: {  	s0 =	sadd.s32 $0x8F2B, s0  }
0xce: {  	[sflag:s0] =	ssyncadd.remote.s32 $0x1  }
0xcf: {  	_ =	sfence.sel $0xFFFF  }
0xd0: {  	[dreg:$0x0] =	wrdreg $0xFFFFFFFF;
	(pc) =	sbr.abs _section_cstart, $3  }
0xd1: {  	[dreg:$0x1] =	wrdreg $0xFFFFFFFF  }
0xd2: {  	_ =	task.clear_ibuf [dreg:s13], $0x2FFFF;
	_ =	strace $0x9FFFFFFF  }
0xd3: {  	(tm) =	ssettm $0x7FFFFFFF  }
tec
execute0_lowered:
.L_overlay_start_1:
0x0: {  	(tag) =	ssettag $0x1  }
0x1: {  	s0 =	rddreg [dreg:$0x0]  }
0x2: {  	s1 =	rddreg [dreg:$0x1]  }
0x3: {  	s3 =	rddreg [dreg:$0x2]  }
0x4: {  	s4 =	rddreg [dreg:$0x3];
	s7 =	stileid.u32  }
0x5: {  	s5 =	rddreg [dreg:$0x4];
	p0 =	sgt.u32 s7, $0xD  }
.Ltmp0:
0x6: {  	s6 =	rddreg [dreg:$0x5];
	(pc) =	sbr.rel @p0 .LBB2_39-.Ltmp0, $4  }
0x7: {  	s9 =	rddreg [dreg:$0x6]  }
0x8: {  	s10 =	rddreg [dreg:$0x7];
	s8 =	simm.s32 $0x0  }
0x9: {  	[smem:$0x7FF] =	sst s8  }
0xa: {  	s2 =	rddreg [dreg:$0x8];
	_ =	strace $0x80000047  }
0xb: {  	s11 =	srdreg.scid  }
0xc: {  	s12 =	sshll.u32 s7, $0x1;
	s15 =	simm.s32 $0x3D80;
	s16 =	simm.s32 $0x4A80  }
0xd: {  	s17 =	simm.s32 $0x5780;
	s19 =	simm.s32 $0xEC80;
	s11 =	sand.u32 $0x1, s11  }
0xe: {  	s20 =	simm.s32 $0x0;
	s12 =	sor.u32 s11, s12;
	s11 =	ssub.s32 $0x2, s11  }
0xf: {  	s13 =	smul.u32 $0x1100, s12;
	s14 =	sshrl.u32 s11, $0x1;
	s18 =	sshll.u32 s12, $0x4  }
0x10: {  	s12 =	simm.s32 $0x1;
	s11 =	ssub.s32 s11, s14;
	s14 =	simm.s32 $0x2900  }
0x11: {  	v0 =	vmov s18;
	s18 =	simm.s32 $0x6480;
	s10 =	sadd.s32 s13, s10;
	s9 =	sadd.s32 s9, s13  }
0x12: {  	v1 =	vimm.f32 $0.0e+00;
	s11 =	smax.u32 s11, $0x1;
	s13 =	simm.s32 $0x1480;
	s10 =	sadd.s32 $0xC00, s10  }
.LBB2_2:
0x13: {  	s21 =	simm.s32 $0x0  }
0x14: {  	[tilespmem:s21], [sflag:$0x1] =	stream.linear.gather [hbm4b:s0+s21], $0x1480, $0x38;
	[tilespmem:$0x17480] =	vst v63  }
0x15: {  	_ =	swait.ge [sflag:s12], $0x1480  }
0x16: {  	[sflag:s12] =	ssyncset.done $0x0  }
0x17: {  	[sflag:s12] =	ssyncadd.s32 $0xFFFFEB80  }
0x18: {  	[tilespmem:s13], [sflag:$0x1] =	stream.linear.gather [hbm4b:s1+s21], $0x1480, $0x38;
	[tilespmem:$0x17480] =	vst v63  }
0x19: {  	_ =	swait.ge [sflag:s12], $0x1480  }
0x1a: {  	[sflag:s12] =	ssyncset.done $0x0  }
0x1b: {  	[sflag:s12] =	ssyncadd.s32 $0xFFFFEB80  }
0x1c: {  	[tilespmem:s14], [sflag:$0x1] =	stream.linear.gather [hbm4b:s3+s21], $0x1480, $0x38;
	[tilespmem:$0x17480] =	vst v63  }
0x1d: {  	_ =	swait.ge [sflag:s12], $0x1480  }
0x1e: {  	[sflag:s12] =	ssyncset.done $0x0  }
0x1f: {  	[sflag:s12] =	ssyncadd.s32 $0xFFFFEB80  }
0x20: {  	[tilespmem:s15], [sflag:$0x1] =	stream.linear.gather [hbm4b:s4+s21], $0xD00, $0x38;
	[tilespmem:$0x17480] =	vst v63  }
0x21: {  	_ =	swait.ge [sflag:s12], $0xD00  }
0x22: {  	[sflag:s12] =	ssyncset.done $0x0  }
0x23: {  	[sflag:s12] =	ssyncadd.s32 $0xFFFFF300  }
0x24: {  	[tilespmem:s16], [sflag:$0x1] =	stream.linear.gather [hbm4b:s5+s21], $0xD00, $0x38;
	[tilespmem:$0x17480] =	vst v63  }
0x25: {  	_ =	swait.ge [sflag:s12], $0xD00  }
0x26: {  	[sflag:s12] =	ssyncset.done $0x0  }
0x27: {  	[sflag:s12] =	ssyncadd.s32 $0xFFFFF300  }
0x28: {  	[tilespmem:s17], [sflag:$0x1] =	stream.linear.gather [hbm4b:s6+s21], $0xD00, $0x38;
	[tilespmem:$0x17480] =	vst v63  }
0x29: {  	_ =	swait.ge [sflag:s12], $0xD00  }
0x2a: {  	s22 =	sand.u32 $0x70, s21;
	s23 =	sand.u32 $0x7C00, s21;
	[sflag:s12] =	ssyncset.done $0x0  }
0x2b: {  	s25 =	sor.u32 s22, s23;
	[sflag:s12] =	ssyncadd.s32 $0xFFFFF300  }
0x2c: {  	[tilespmem:s25+$0xEC80] =	vst v1  }
0x2d: {  	s24 =	simm.s32 $0x10;
	[tilespmem:s25+$0x6480] =	vst v1;
	s25 =	simm.s32 $0x0  }
.LBB2_3:
0x2e: {  	p0 =	sne.s32 s24, $0x800  }
.Ltmp1:
0x2f: {  	s26 =	sand.u32 $0x70, s24;
	s25 =	sadd.s32 $0x80, s25;
	(pc) =	sbr.rel @p0 .LBB2_3-.Ltmp1, $4  }
0x30: {  	s24 =	sadd.s32 $0x10, s24;
	s28 =	sand.u32 $0x7C00, s25  }
0x31: {  	s26 =	sor.u32 s26, s28  }
0x32: {  	[tilespmem:s26+$0xEC80] =	vst v1  }
0x33: {  	[tilespmem:s26+$0x6480] =	vst v1  }
0x34: {  	s22 =	sor.u32 s23, s22  }
0x35: {  	[tilespmem:s22+$0xED00] =	vst v1  }
0x36: {  	s23 =	simm.s32 $0x10;
	[tilespmem:s22+$0x6500] =	vst v1  }
.LBB2_5:
0x37: {  	p0 =	sne.s32 s23, $0x800  }
.Ltmp2:
0x38: {  	s22 =	sand.u32 $0x70, s23;
	s21 =	sadd.s32 $0x80, s21;
	(pc) =	sbr.rel @p0 .LBB2_5-.Ltmp2, $4  }
0x39: {  	s23 =	sadd.s32 $0x10, s23;
	s24 =	sand.u32 $0x7C00, s21  }
0x3a: {  	s24 =	sor.u32 s24, s22  }
0x3b: {  	s22 =	simm.s32 $0x0;
	[tilespmem:s24+$0xED00] =	vst v1  }
0x3c: {  	[tilespmem:s24+$0x6500] =	vst v1  }
0x3d: {  	s21 =	sand.u32 $0x70, s22;
	s23 =	sand.u32 $0x7C00, s22  }
0x3e: {  	s21 =	sor.u32 s23, s21  }
0x3f: {  	[tilespmem:s21+$0xED80] =	vst v1  }
0x40: {  	s24 =	simm.s32 $0x0;
	s23 =	simm.s32 $0x10;
	[tilespmem:s21+$0x6580] =	vst v1  }
.LBB2_7:
0x41: {  	p0 =	sne.s32 s23, $0x800  }
.Ltmp3:
0x42: {  	s25 =	sand.u32 $0x70, s23;
	s24 =	sadd.s32 $0x80, s24;
	(pc) =	sbr.rel @p0 .LBB2_7-.Ltmp3, $4  }
0x43: {  	s23 =	sadd.s32 $0x10, s23;
	s26 =	sand.u32 $0x7C00, s24  }
0x44: {  	s25 =	sor.u32 s26, s25  }
0x45: {  	[tilespmem:s25+$0xED80] =	vst v1  }
0x46: {  	[tilespmem:s25+$0x6580] =	vst v1  }
0x47: {  	[tilespmem:s21+$0xEE00] =	vst v1  }
0x48: {  	s24 =	simm.s32 $0x10;
	[tilespmem:s21+$0x6600] =	vst v1  }
.LBB2_9:
0x49: {  	p0 =	sne.s32 s24, $0x800  }
.Ltmp4:
0x4a: {  	s21 =	sand.u32 $0x70, s24;
	s22 =	sadd.s32 $0x80, s22;
	(pc) =	sbr.rel @p0 .LBB2_9-.Ltmp4, $4  }
0x4b: {  	s24 =	sadd.s32 $0x10, s24;
	s23 =	sand.u32 $0x7C00, s22  }
0x4c: {  	s21 =	sor.u32 s23, s21  }
0x4d: {  	s23 =	simm.s32 $0x0;
	[tilespmem:s21+$0xEE00] =	vst v1  }
0x4e: {  	[tilespmem:s21+$0x6600] =	vst v1  }
0x4f: {  	s21 =	sand.u32 $0x70, s23;
	s22 =	sand.u32 $0x7C00, s23  }
0x50: {  	s21 =	sor.u32 s22, s21  }
0x51: {  	[tilespmem:s21+$0xEE80] =	vst v1  }
0x52: {  	s24 =	simm.s32 $0x0;
	s22 =	simm.s32 $0x10;
	[tilespmem:s21+$0x6680] =	vst v1  }
.LBB2_11:
0x53: {  	p0 =	sne.s32 s22, $0x800  }
.Ltmp5:
0x54: {  	s25 =	sand.u32 $0x70, s22;
	s24 =	sadd.s32 $0x80, s24;
	(pc) =	sbr.rel @p0 .LBB2_11-.Ltmp5, $4  }
0x55: {  	s22 =	sadd.s32 $0x10, s22;
	s26 =	sand.u32 $0x7C00, s24  }
0x56: {  	s25 =	sor.u32 s26, s25  }
0x57: {  	[tilespmem:s25+$0xEE80] =	vst v1  }
0x58: {  	[tilespmem:s25+$0x6680] =	vst v1  }
0x59: {  	[tilespmem:s21+$0xEF00] =	vst v1  }
0x5a: {  	s22 =	simm.s32 $0x10;
	[tilespmem:s21+$0x6700] =	vst v1  }
.LBB2_13:
0x5b: {  	p0 =	sne.s32 s22, $0x800  }
.Ltmp6:
0x5c: {  	s21 =	sand.u32 $0x70, s22;
	s23 =	sadd.s32 $0x80, s23;
	(pc) =	sbr.rel @p0 .LBB2_13-.Ltmp6, $4  }
0x5d: {  	s22 =	sadd.s32 $0x10, s22;
	s24 =	sand.u32 $0x7C00, s23  }
0x5e: {  	s24 =	sor.u32 s24, s21  }
0x5f: {  	s21 =	simm.s32 $0x0;
	[tilespmem:s24+$0xEF00] =	vst v1  }
0x60: {  	[tilespmem:s24+$0x6700] =	vst v1  }
0x61: {  	s22 =	sand.u32 $0x70, s21;
	s23 =	sand.u32 $0x7C00, s21  }
0x62: {  	s23 =	sor.u32 s23, s22  }
0x63: {  	[tilespmem:s23+$0xEF80] =	vst v1  }
0x64: {  	s22 =	simm.s32 $0x10;
	[tilespmem:s23+$0x6780] =	vst v1;
	s23 =	simm.s32 $0x0  }
.LBB2_15:
0x65: {  	p0 =	sne.s32 s22, $0x800  }
.Ltmp7:
0x66: {  	s24 =	sand.u32 $0x70, s22;
	s23 =	sadd.s32 $0x80, s23;
	(pc) =	sbr.rel @p0 .LBB2_15-.Ltmp7, $4  }
0x67: {  	s22 =	sadd.s32 $0x10, s22;
	s25 =	sand.u32 $0x7C00, s23  }
0x68: {  	s24 =	sor.u32 s25, s24  }
0x69: {  	[tilespmem:s24+$0xEF80] =	vst v1  }
0x6a: {  	[tilespmem:s24+$0x6780] =	vst v1  }
0x6b: {  	s22 =	sand.u32 $0x7, s21  }
0x6c: {  	s22 =	sshll.u32 s22, $0x4  }
0x6d: {  	s22 =	sadd.s32 $0x0, s22  }
0x6e: {  	s22 =	sor.u32 $0x380, s22  }
0x6f: {  	[tilespmem:s22+$0xEC80] =	vst v1  }
0x70: {  	s23 =	simm.s32 $0x10;
	s24 =	simm.s32 $0x1;
	[tilespmem:s22+$0x6480] =	vst v1  }
.LBB2_17:
0x71: {  	s22 =	sand.u32 $0x7, s24;
	p0 =	sne.s32 s23, $0x800;
	s23 =	sadd.s32 $0x10, s23  }
.Ltmp8:
0x72: {  	s21 =	sadd.s32 $0x80, s21;
	s22 =	sshll.u32 s22, $0x4;
	(pc) =	sbr.rel @p0 .LBB2_17-.Ltmp8, $4  }
0x73: {  	s22 =	sadd.s32 s22, s21  }
0x74: {  	s25 =	sor.u32 $0x380, s22  }
0x75: {  	s22 =	simm.s32 $0x0;
	[tilespmem:s25+$0xEC80] =	vst v1  }
0x76: {  	s24 =	sadd.s32 $0x1, s24;
	[tilespmem:s25+$0x6480] =	vst v1  }
0x77: {  	s21 =	sand.u32 $0x70, s22;
	s23 =	sand.u32 $0x7C00, s22  }
0x78: {  	s21 =	sor.u32 s21, s23  }
0x79: {  	[tilespmem:s21+$0x13080] =	vst v1  }
0x7a: {  	s24 =	simm.s32 $0x0;
	s23 =	simm.s32 $0x10;
	[tilespmem:s21+$0xA880] =	vst v1  }
.LBB2_19:
0x7b: {  	p0 =	sne.s32 s23, $0x800  }
.Ltmp9:
0x7c: {  	s25 =	sand.u32 $0x70, s23;
	s24 =	sadd.s32 $0x80, s24;
	(pc) =	sbr.rel @p0 .LBB2_19-.Ltmp9, $4  }
0x7d: {  	s23 =	sadd.s32 $0x10, s23;
	s26 =	sand.u32 $0x7C00, s24  }
0x7e: {  	s25 =	sor.u32 s25, s26  }
0x7f: {  	[tilespmem:s25+$0x13080] =	vst v1  }
0x80: {  	[tilespmem:s25+$0xA880] =	vst v1  }
0x81: {  	[tilespmem:s21+$0x13100] =	vst v1  }
0x82: {  	s23 =	simm.s32 $0x10;
	[tilespmem:s21+$0xA900] =	vst v1  }
.LBB2_21:
0x83: {  	p0 =	sne.s32 s23, $0x800  }
.Ltmp10:
0x84: {  	s21 =	sand.u32 $0x70, s23;
	s22 =	sadd.s32 $0x80, s22;
	(pc) =	sbr.rel @p0 .LBB2_21-.Ltmp10, $4  }
0x85: {  	s23 =	sadd.s32 $0x10, s23;
	s24 =	sand.u32 $0x7C00, s22  }
0x86: {  	s24 =	sor.u32 s21, s24  }
0x87: {  	s21 =	simm.s32 $0x0;
	[tilespmem:s24+$0x13100] =	vst v1  }
0x88: {  	[tilespmem:s24+$0xA900] =	vst v1  }
0x89: {  	s22 =	sand.u32 $0x70, s21;
	s23 =	sand.u32 $0x7C00, s21  }
0x8a: {  	s22 =	sor.u32 s22, s23  }
0x8b: {  	[tilespmem:s22+$0x13180] =	vst v1  }
0x8c: {  	s24 =	simm.s32 $0x0;
	s23 =	simm.s32 $0x10;
	[tilespmem:s22+$0xA980] =	vst v1  }
.LBB2_23:
0x8d: {  	p0 =	sne.s32 s23, $0x800  }
.Ltmp11:
0x8e: {  	s25 =	sand.u32 $0x70, s23;
	s24 =	sadd.s32 $0x80, s24;
	(pc) =	sbr.rel @p0 .LBB2_23-.Ltmp11, $4  }
0x8f: {  	s23 =	sadd.s32 $0x10, s23;
	s26 =	sand.u32 $0x7C00, s24  }
0x90: {  	s25 =	sor.u32 s25, s26  }
0x91: {  	[tilespmem:s25+$0x13180] =	vst v1  }
0x92: {  	[tilespmem:s25+$0xA980] =	vst v1  }
0x93: {  	[tilespmem:s22+$0x13200] =	vst v1  }
0x94: {  	s23 =	simm.s32 $0x10;
	[tilespmem:s22+$0xAA00] =	vst v1  }
.LBB2_25:
0x95: {  	p0 =	sne.s32 s23, $0x800  }
.Ltmp12:
0x96: {  	s22 =	sand.u32 $0x70, s23;
	s21 =	sadd.s32 $0x80, s21;
	(pc) =	sbr.rel @p0 .LBB2_25-.Ltmp12, $4  }
0x97: {  	s23 =	sadd.s32 $0x10, s23;
	s24 =	sand.u32 $0x7C00, s21  }
0x98: {  	s24 =	sor.u32 s22, s24  }
0x99: {  	s22 =	simm.s32 $0x0;
	[tilespmem:s24+$0x13200] =	vst v1  }
0x9a: {  	[tilespmem:s24+$0xAA00] =	vst v1  }
0x9b: {  	s21 =	sand.u32 $0x70, s22;
	s23 =	sand.u32 $0x7C00, s22  }
0x9c: {  	s21 =	sor.u32 s21, s23  }
0x9d: {  	[tilespmem:s21+$0x13280] =	vst v1  }
0x9e: {  	s24 =	simm.s32 $0x0;
	s23 =	simm.s32 $0x10;
	[tilespmem:s21+$0xAA80] =	vst v1  }
.LBB2_27:
0x9f: {  	p0 =	sne.s32 s23, $0x800  }
.Ltmp13:
0xa0: {  	s25 =	sand.u32 $0x70, s23;
	s24 =	sadd.s32 $0x80, s24;
	(pc) =	sbr.rel @p0 .LBB2_27-.Ltmp13, $4  }
0xa1: {  	s23 =	sadd.s32 $0x10, s23;
	s26 =	sand.u32 $0x7C00, s24  }
0xa2: {  	s25 =	sor.u32 s25, s26  }
0xa3: {  	[tilespmem:s25+$0x13280] =	vst v1  }
0xa4: {  	[tilespmem:s25+$0xAA80] =	vst v1  }
0xa5: {  	[tilespmem:s21+$0x13300] =	vst v1  }
0xa6: {  	s23 =	simm.s32 $0x10;
	[tilespmem:s21+$0xAB00] =	vst v1  }
.LBB2_29:
0xa7: {  	p0 =	sne.s32 s23, $0x800  }
.Ltmp14:
0xa8: {  	s21 =	sand.u32 $0x70, s23;
	s22 =	sadd.s32 $0x80, s22;
	(pc) =	sbr.rel @p0 .LBB2_29-.Ltmp14, $4  }
0xa9: {  	s23 =	sadd.s32 $0x10, s23;
	s24 =	sand.u32 $0x7C00, s22  }
0xaa: {  	s24 =	sor.u32 s21, s24  }
0xab: {  	s21 =	simm.s32 $0x0;
	[tilespmem:s24+$0x13300] =	vst v1  }
0xac: {  	[tilespmem:s24+$0xAB00] =	vst v1  }
0xad: {  	s22 =	sand.u32 $0x70, s21;
	s23 =	sand.u32 $0x7C00, s21  }
0xae: {  	s23 =	sor.u32 s22, s23  }
0xaf: {  	[tilespmem:s23+$0x13380] =	vst v1  }
0xb0: {  	s22 =	simm.s32 $0x10;
	[tilespmem:s23+$0xAB80] =	vst v1;
	s23 =	simm.s32 $0x0  }
.LBB2_31:
0xb1: {  	p0 =	sne.s32 s22, $0x800  }
.Ltmp15:
0xb2: {  	s24 =	sand.u32 $0x70, s22;
	s23 =	sadd.s32 $0x80, s23;
	(pc) =	sbr.rel @p0 .LBB2_31-.Ltmp15, $4  }
0xb3: {  	s22 =	sadd.s32 $0x10, s22;
	s25 =	sand.u32 $0x7C00, s23  }
0xb4: {  	s24 =	sor.u32 s24, s25  }
0xb5: {  	[tilespmem:s24+$0x13380] =	vst v1  }
0xb6: {  	[tilespmem:s24+$0xAB80] =	vst v1  }
0xb7: {  	s22 =	simm.s32 $0x0  }
.LBB2_33:
0xb8: {  	p0 =	sne.s32 s22, $0x800  }
.Ltmp16:
0xb9: {  	_ = 	snop;
	(pc) =	sbr.rel @p0 .LBB2_33-.Ltmp16, $4  }
0xba: {  	s23 =	sand.u32 $0x70, s22;
	s24 =	sand.u32 $0x7C00, s21  }
0xbb: {  	s23 =	sor.u32 s23, s24  }
0xbc: {  	[tilespmem:s23+$0xAC00] =	vst v1  }
0xbd: {  	s21 =	sadd.s32 $0x80, s21;
	s22 =	sadd.s32 $0x10, s22;
	[tilespmem:s23+$0x13400] =	vst v1  }
0xbe: {  	s21 =	simm.s32 $0x0;
	s22 =	simm.s32 $0x40  }
.LBB2_35:
0xbf: {  	p0 =	sne.s32 s22, $0x5000;
	v2 =	vld [tilespmem:s21+$0x0];
	_ =	sdelay $0x4  }
0xc0: {  	v3 =	vld [tilespmem:s21+$0x1480];
	v2 =	vsub.s32 v2, v0  }
0xc1: {  	vm0 =	vgt.s32 v2, $0x0  }
0xc2: {  	v4 =	vnsel vm0, $0x0, v2  }
0xc3: {  	v4 =	vmin.u32 v4, $0xF  }
0xc4: {  	v5 =	vshrl.u32 v4, $0x3  }
0xc5: {  	v5 =	vmul.u32 $0x4400, v5;
	v6 =	vshll.u32 v3, $0x3  }
0xc6: {  	v4 =	vshll.u32 v4, $0x7;
	v6 =	vand.u32 $0xFFFFFC00, v6  }
0xc7: {  	v4 =	vand.u32 $0x380, v4;
	v5 =	vadd.s32 v6, v5  }
0xc8: {  	vm0 =	vlt.u32 v2, $0x10;
	v2 =	vand.u32 $0x7F, v3;
	v3 =	vor.u32 v4, v5  }
0xc9: {  	v4 =	vld [tilespmem:s21+$0x2900];
	v2 =	vor.u32 v2, v3  }
.Ltmp17:
0xca: {  	(pc) =	sbr.rel @p0 .LBB2_35-.Ltmp17, $2  }
0xcb: {  	_ =	sdelay $0x2  }
0xcc: {  	s21 =	sshra.s32 s22, $0x2;
	s22 =	sadd.s32 $0x40, s22;
	[tilespmem:v2+s18+$0x0] =	vst.idx.msk vm0, v4  }
0xcd: {  	v2 =	vld [tilespmem:s21+$0x0];
	_ =	sdelay $0x4  }
0xce: {  	v3 =	vld [tilespmem:s21+$0x1480];
	v2 =	vsub.s32 v2, v0  }
0xcf: {  	vm0 =	vgt.s32 v2, $0x0  }
0xd0: {  	v4 =	vnsel vm0, $0x0, v2  }
0xd1: {  	v4 =	vmin.u32 v4, $0xF  }
0xd2: {  	v5 =	vshrl.u32 v4, $0x3  }
0xd3: {  	v6 =	vshll.u32 v3, $0x3;
	v5 =	vmul.u32 $0x4400, v5  }
0xd4: {  	v6 =	vand.u32 $0xFFFFFC00, v6;
	v4 =	vshll.u32 v4, $0x7  }
0xd5: {  	v4 =	vand.u32 $0x380, v4;
	v5 =	vadd.s32 v6, v5  }
0xd6: {  	vm13 =	vlt.u32 v2, $0x10;
	v2 =	vand.u32 $0x7F, v3;
	v3 =	vor.u32 v4, v5  }
0xd7: {  	v59 =	vld [tilespmem:s21+$0x2900];
	v2 =	vor.u32 v2, v3;
	_ =	sdelay $0x4  }
0xd8: {  	[tilespmem:v2+s18+$0x0] =	vst.idx.msk vm13, v59  }
0xd9: {  	v2 =	vld [tilespmem:$0x140C];
	_ =	sdelay $0x4  }
0xda: {  	v3 =	vld [tilespmem:$0x288C];
	v2 =	vsub.s32 v2, v0  }
0xdb: {  	vm14 =	vgt.s32 v2, $0x0  }
0xdc: {  	v60 =	vnsel vm14, $0x0, v2  }
0xdd: {  	v4 =	vmin.u32 v60, $0xF  }
0xde: {  	v61 =	vshrl.u32 v4, $0x3  }
0xdf: {  	v62 =	vshll.u32 v3, $0x3;
	v5 =	vmul.u32 $0x4400, v61  }
0xe0: {  	v6 =	vand.u32 $0xFFFFFC00, v62;
	v4 =	vshll.u32 v4, $0x7  }
0xe1: {  	v4 =	vand.u32 $0x380, v4;
	v5 =	vadd.s32 v6, v5  }
0xe2: {  	vm15 =	vlt.u32 v2, $0x10;
	v2 =	vand.u32 $0x7F, v3;
	v3 =	vor.u32 v4, v5  }
0xe3: {  	v63 =	vld [tilespmem:$0x3D0C];
	v2 =	vor.u32 v2, v3;
	_ =	sdelay $0x4  }
0xe4: {  	s21 =	simm.s32 $0x0;
	s22 =	simm.s32 $0x40;
	[tilespmem:v2+s18+$0x0] =	vst.idx.msk vm15, v63  }
.LBB2_37:
0xe5: {  	p0 =	sne.s32 s22, $0x3340;
	v2 =	vld [tilespmem:s21+$0x3D80];
	_ =	sdelay $0x4  }
0xe6: {  	v3 =	vld [tilespmem:s21+$0x4A80];
	v2 =	vsub.s32 v2, v0  }
0xe7: {  	vm0 =	vgt.s32 v2, $0x0  }
0xe8: {  	v4 =	vnsel vm0, $0x0, v2  }
0xe9: {  	v4 =	vmin.u32 v4, $0xF  }
0xea: {  	v5 =	vshrl.u32 v4, $0x3  }
0xeb: {  	v5 =	vmul.u32 $0x4400, v5;
	v6 =	vshll.u32 v3, $0x3  }
0xec: {  	v4 =	vshll.u32 v4, $0x7;
	v6 =	vand.u32 $0xFFFFFC00, v6  }
0xed: {  	v4 =	vand.u32 $0x380, v4;
	v5 =	vadd.s32 v6, v5  }
0xee: {  	vm0 =	vlt.u32 v2, $0x10;
	v2 =	vand.u32 $0x7F, v3;
	v3 =	vor.u32 v4, v5  }
0xef: {  	v4 =	vld [tilespmem:s21+$0x5780];
	v2 =	vor.u32 v2, v3  }
.Ltmp18:
0xf0: {  	(pc) =	sbr.rel @p0 .LBB2_37-.Ltmp18, $2  }
0xf1: {  	_ =	sdelay $0x2  }
0xf2: {  	s21 =	sshra.s32 s22, $0x2;
	s22 =	sadd.s32 $0x40, s22;
	[tilespmem:v2+s19+$0x0] =	vst.idx.msk vm0, v4  }
0xf3: {  	v2 =	vld [tilespmem:s21+$0x3D80];
	_ =	sdelay $0x4  }
0xf4: {  	v3 =	vld [tilespmem:s21+$0x4A80];
	v2 =	vsub.s32 v2, v0  }
0xf5: {  	vm0 =	vgt.s32 v2, $0x0  }
0xf6: {  	v4 =	vnsel vm0, $0x0, v2  }
0xf7: {  	v4 =	vmin.u32 v4, $0xF  }
0xf8: {  	v5 =	vshrl.u32 v4, $0x3  }
0xf9: {  	v6 =	vshll.u32 v3, $0x3;
	v5 =	vmul.u32 $0x4400, v5  }
0xfa: {  	v6 =	vand.u32 $0xFFFFFC00, v6;
	v4 =	vshll.u32 v4, $0x7  }
0xfb: {  	v4 =	vand.u32 $0x380, v4;
	v5 =	vadd.s32 v6, v5  }
0xfc: {  	vm13 =	vlt.u32 v2, $0x10;
	v2 =	vand.u32 $0x7F, v3;
	v3 =	vor.u32 v4, v5  }
0xfd: {  	v59 =	vld [tilespmem:s21+$0x5780];
	v2 =	vor.u32 v2, v3;
	_ =	sdelay $0x4  }
0xfe: {  	[tilespmem:v2+s19+$0x0] =	vst.idx.msk vm13, v59  }
0xff: {  	v2 =	vld [tilespmem:$0x4A57];
	_ =	sdelay $0x4  }
0x100: {  	v3 =	vld [tilespmem:$0x5757];
	v2 =	vsub.s32 v2, v0  }
0x101: {  	vm14 =	vgt.s32 v2, $0x0  }
0x102: {  	v60 =	vnsel vm14, $0x0, v2  }
0x103: {  	v4 =	vmin.u32 v60, $0xF  }
0x104: {  	v61 =	vshrl.u32 v4, $0x3  }
0x105: {  	v62 =	vshll.u32 v3, $0x3;
	v5 =	vmul.u32 $0x4400, v61  }
0x106: {  	v6 =	vand.u32 $0xFFFFFC00, v62;
	v4 =	vshll.u32 v4, $0x7  }
0x107: {  	v4 =	vand.u32 $0x380, v4;
	v5 =	vadd.s32 v6, v5  }
0x108: {  	vm15 =	vlt.u32 v2, $0x10;
	v2 =	vand.u32 $0x7F, v3;
	v3 =	vor.u32 v4, v5  }
0x109: {  	v63 =	vld [tilespmem:$0x6457];
	v2 =	vor.u32 v2, v3;
	_ =	sdelay $0x4  }
0x10a: {  	[tilespmem:v2+s19+$0x0] =	vst.idx.msk vm15, v63  }
0x10b: {  	[hbm4b:s9+s8] =	stream.linear.scatter [tilespmem:s18], [sflag:$0x1], $0x8800, $0x38;
	[tilespmem:$0x17480] =	vst v63  }
0x10c: {  	s20 =	sadd.s32 $0x1, s20;
	_ =	swait.ge [sflag:s12], $0x8800  }
0x10d: {  	p0 =	sne.s32 s20, s11;
	[sflag:s12] =	ssyncset.done $0x0  }
.Ltmp19:
0x10e: {  	[sflag:s12] =	ssyncadd.s32 $0xFFFF7800;
	(pc) =	sbr.rel @p0 .LBB2_2-.Ltmp19, $4  }
0x10f: {  	[hbm4b:s10+s8] =	stream.linear.scatter [tilespmem:s19], [sflag:$0x1], $0x8800, $0x38;
	[tilespmem:$0x17480] =	vst v63  }
0x110: {  	_ =	swait.ge [sflag:s12], $0x8800  }
0x111: {  	[sflag:s12] =	ssyncset.done $0x0  }
0x112: {  	[sflag:s12] =	ssyncadd.s32 $0xFFFF7800  }
.LBB2_39:
0x113: {  	_ =	sfence.sel $0x180000  }
0x114: {  	[bflag:$0x0] =	sbarrier.arrive $0xFFFF  }
0x115: {  	p0 =	sne.s32 s7, $0x0;
	_ =	strace $0x90000047  }
0x116: {  	s0 =	sadd.s32 @!p0 $0x100000, s2;
	[bflag:$0x2] =	sbarrier.arrive $0xFFFF  }
0x117: {  	[sflag:s0] =	ssyncadd.tile.s32 @!p0 $0x1;
	_ =	shalt  }
.Lfunc_end2:
_tile_overlayer_lowered:
.L_overlay_start_2:
0x118: {  	(tag) =	ssettag $0x2  }
0x119: {  	s0 =	rddreg [dreg:$0x0];
	s2 =	stileid.u32  }
0x11a: {  	s1 =	rddreg [dreg:$0x1];
	p0 =	sne.s32 s2, $0x0  }
0x11b: {  	s3 =	rddreg [dreg:$0x2];
	[bflag:$0x3] =	sbarrier.arrive $0xFFFF;
	s2 =	simm.s32 @!p0 $0x1C01  }
0x11c: {  	[timem:s3], [sflag:s2] =	dma.local @!p0 [hbm:s0], s1  }
0x11d: {  	s0 =	simm.s32 @!p0 $0x1  }
0x11e: {  	_ =	swait.ge @!p0 [sflag:s0], s1  }
0x11f: {  	s1 =	ssub.s32 @!p0 $0x0, s1;
	[sflag:s0] =	ssyncset.done @!p0 $0x0  }
0x120: {  	[sflag:s0] =	ssyncadd.s32 @!p0 s1  }
0x121: {  	[bflag:$0x3] =	sbarrier.arrive $0xFFFF  }
0x122: {  	_ =	shalt  }

</sc_bundles>
